<compile_context>
chip_gen: v7x
topology: tpu7x:2x2x1
jax: 0.10.2.dev20260603
libtpu: 0.0.44.dev20260713+nightly
codegen_flags: <defaults>
</compile_context>

<pallas_src>
import functools

import jax
import jax.numpy as jnp
from jax import lax
from jax.experimental import pallas as pl
from jax.experimental.pallas import tpu as pltpu
from jax.experimental.pallas import tpu_sc as plsc

NBUF = 4


@functools.lru_cache(maxsize=None)
def _make_kernel(B, L, E):
    info = plsc.get_sparse_core_info()
    NC, NS, LANES = info.num_cores, info.num_subcores, info.num_lanes
    NW = NC * NS
    total = B * L
    assert total % (NW * L) == 0
    rows_per_w = total // NW
    seqs_per_w = rows_per_w // L
    assert seqs_per_w % NBUF == 0
    UNROLL = 4
    assert L % UNROLL == 0

    mesh = plsc.VectorSubcoreMesh(core_axis_name="c", subcore_axis_name="s")

    @functools.partial(
        pl.kernel,
        mesh=mesh,
        out_type=jax.ShapeDtypeStruct((B, L, E), jnp.float32),
        scratch_types=[
            pltpu.VMEM((L, E), jnp.float32),
            pltpu.VMEM((rows_per_w,), jnp.int32),
        ]
        + [pltpu.VMEM((L, E), jnp.float32) for _ in range(NBUF)]
        + [pltpu.SemaphoreType.DMA for _ in range(2 * NBUF)],
        compiler_params=pltpu.CompilerParams(use_tc_tiling_on_sc=False),
    )
    def k(x_hbm, tok_hbm, pos_hbm, out_hbm, pos_v, idx_all, *bufs):
        rows = bufs[:NBUF]
        gsem = bufs[NBUF : 2 * NBUF]
        osem = bufs[2 * NBUF :]
        wid = lax.axis_index("s") * NC + lax.axis_index("c")
        base = wid * rows_per_w
        pltpu.sync_copy(pos_hbm, pos_v)
        pltpu.sync_copy(x_hbm.at[pl.ds(base, rows_per_w)], idx_all)

        def fire_gather(s, b):
            o = pl.multiple_of(s * L, 8)
            pltpu.async_copy(tok_hbm.at[idx_all.at[pl.ds(o, L)]], rows[b], gsem[b])

        def wait_gather(b):
            pltpu.make_async_copy(
                tok_hbm.at[idx_all.at[pl.ds(0, L)]], rows[b], gsem[b]
            ).wait()

        def fire_out(s, b):
            pltpu.async_copy(rows[b], out_hbm.at[wid * seqs_per_w + s], osem[b])

        def wait_out(b):
            pltpu.make_async_copy(rows[b], out_hbm.at[0], osem[b]).wait()

        def add_pos(b):
            def body(i, carry):
                for u in range(UNROLL):
                    r = i * UNROLL + u
                    for c in range(E // LANES):
                        sl = pl.ds(c * LANES, LANES)
                        plsc.addupdate(rows[b].at[r, sl], pos_v[r, sl])
                return carry

            lax.fori_loop(0, L // UNROLL, body, 0)

        for b in range(NBUF - 1):
            fire_gather(b, b)

        def outer(k0, carry):
            g0 = k0 * NBUF
            for b in range(NBUF):
                g = g0 + b
                wait_gather(b)
                add_pos(b)
                fire_out(g, b)
                pb = (b - 1) % NBUF

                @pl.when(g >= 1)
                def _():
                    wait_out(pb)

                @pl.when(g + NBUF - 1 < seqs_per_w)
                def _():
                    fire_gather(g + NBUF - 1, pb)

            return carry

        lax.fori_loop(0, seqs_per_w // NBUF, outer, 0)
        wait_out(NBUF - 1)

    return k


def kernel(x, token_table, pos_table):
    B, L = x.shape
    V, E = token_table.shape
    k = _make_kernel(B, L, E)
    return k(x.reshape(B * L), token_table, pos_table)

# --- scband reference (transcript-rebuilt; emitter-appended) ---
"""Pipeline reference for scband-token-and-position-embedding-71090298683423 (READ-ONLY COPY).

The authoritative reference and input builder live on the scoring server;
editing this copy changes nothing except your own understanding.
"""

import jax, jax.numpy as jnp
import numpy as np

VOCAB = 1000000
MAXLEN = 200
EMBED = 64
BATCH = 4096

def setup_inputs(seed: int = 0) -> dict:
    key = jax.random.key(seed)
    k1, k2, k3 = jax.random.split(key, 3)
    x = jax.random.randint(k1, (BATCH, MAXLEN), 0, VOCAB, dtype=jnp.int64 if jax.config.jax_enable_x64 else jnp.int32).astype(jnp.int32)
    token_table = jax.random.normal(k2, (VOCAB, EMBED), dtype=jnp.float32) * 0.02
    pos_table = jax.random.normal(k3, (MAXLEN, EMBED), dtype=jnp.float32) * 0.02
    return {"x": x, "token_table": token_table, "pos_table": pos_table}

def reference(x, token_table, pos_table):
    # token embedding lookup
    tok = jnp.take(token_table, x, axis=0)  # [B, L, E]
    # position embedding: positions = range(L)
    L = x.shape[-1]
    positions = jnp.arange(L)
    pos = jnp.take(pos_table, positions, axis=0)  # [L, E]
    return tok + pos[None, :, :]

if __name__ == "__main__":
    import jax
    _d = setup_inputs()
    print(jax.jit(kernel)(*tuple(_d.values())))

</pallas_src>

<mosaic_0001>
#map = affine_map<(d0, d1) -> (0)>
#map1 = affine_map<(d0, d1) -> (0, 0)>
#map2 = affine_map<(d0, d1) -> (0, 0, 0)>
module attributes {stable_mosaic.version = 14 : i64} {
  func.func @k(%arg0: i32, %arg1: i32, %arg2: memref<819200xi32, #tpu.memory_space<hbm>>, %arg3: memref<1000000x64xf32, #tpu.memory_space<hbm>>, %arg4: memref<200x64xf32, #tpu.memory_space<hbm>>, %arg5: memref<4096x200x64xf32, #tpu.memory_space<hbm>>, %arg6: memref<200x64xf32, #tpu.memory_space<vmem>>, %arg7: memref<25600xi32, #tpu.memory_space<vmem>>, %arg8: memref<200x64xf32, #tpu.memory_space<vmem>>, %arg9: memref<200x64xf32, #tpu.memory_space<vmem>>, %arg10: memref<200x64xf32, #tpu.memory_space<vmem>>, %arg11: memref<200x64xf32, #tpu.memory_space<vmem>>, %arg12: memref<!tpu.dma_semaphore, #tpu.memory_space<semaphore_mem>>, %arg13: memref<!tpu.dma_semaphore, #tpu.memory_space<semaphore_mem>>, %arg14: memref<!tpu.dma_semaphore, #tpu.memory_space<semaphore_mem>>, %arg15: memref<!tpu.dma_semaphore, #tpu.memory_space<semaphore_mem>>, %arg16: memref<!tpu.dma_semaphore, #tpu.memory_space<semaphore_mem>>, %arg17: memref<!tpu.dma_semaphore, #tpu.memory_space<semaphore_mem>>, %arg18: memref<!tpu.dma_semaphore, #tpu.memory_space<semaphore_mem>>, %arg19: memref<!tpu.dma_semaphore, #tpu.memory_space<semaphore_mem>>) attributes {dimension_semantics = [#tpu.dimension_semantics<core_parallel>, #tpu.dimension_semantics<subcore_parallel>], iteration_bounds = array<i64: 2, 16>, scalar_prefetch = 0 : i64, scratch_operands = 14 : i64, tpu.core_type = #tpu.core_type<sc_vector_subcore>, window_params = [{transform_indices = #map}, {transform_indices = #map1}, {transform_indices = #map1}, {transform_indices = #map2}]} {
    %mul3A = arith.constant 2 : i32
    %mul3A_0 = arith.muli %arg1, %mul3A : i32
    %add3A = arith.addi %mul3A_0, %arg0 : i32
    %mul3A_1 = arith.constant 25600 : i32
    %mul3A_2 = arith.muli %add3A, %mul3A_1 : i32
    "tpu.region"() ({
      %run_scoped3A = tpu.sem_alloc : memref<!tpu.dma_semaphore, #tpu.memory_space<semaphore_mem>>
      tpu.enqueue_dma source(%arg4 : memref<200x64xf32, #tpu.memory_space<hbm>>) target(%arg6 : memref<200x64xf32, #tpu.memory_space<vmem>>) target_semaphore(%run_scoped3A : memref<!tpu.dma_semaphore, #tpu.memory_space<semaphore_mem>>)
      tpu.wait_dma2 semaphore(%run_scoped3A : memref<!tpu.dma_semaphore, #tpu.memory_space<semaphore_mem>>) src(%arg4 : memref<200x64xf32, #tpu.memory_space<hbm>>) dst(%arg6 : memref<200x64xf32, #tpu.memory_space<vmem>>)
      tpu.yield
    }) : () -> ()
    "tpu.region"() ({
      %run_scoped3A = tpu.sem_alloc : memref<!tpu.dma_semaphore, #tpu.memory_space<semaphore_mem>>
      %dma_start3A_32 = tpu.memref_slice %arg2[%mul3A_2] : memref<819200xi32, #tpu.memory_space<hbm>> -> memref<25600xi32, #tpu.memory_space<hbm>>
      %dma_start3A_33 = tpu.memref_slice %arg2[%mul3A_2] : memref<819200xi32, #tpu.memory_space<hbm>> -> memref<25600xi32, #tpu.memory_space<hbm>>
      tpu.enqueue_dma source(%dma_start3A_33 : memref<25600xi32, #tpu.memory_space<hbm>>) target(%arg7 : memref<25600xi32, #tpu.memory_space<vmem>>) target_semaphore(%run_scoped3A : memref<!tpu.dma_semaphore, #tpu.memory_space<semaphore_mem>>)
      %dma_wait3A_34 = tpu.memref_slice %arg2[%mul3A_2] : memref<819200xi32, #tpu.memory_space<hbm>> -> memref<25600xi32, #tpu.memory_space<hbm>>
      %dma_wait3A_35 = tpu.memref_slice %arg2[%mul3A_2] : memref<819200xi32, #tpu.memory_space<hbm>> -> memref<25600xi32, #tpu.memory_space<hbm>>
      tpu.wait_dma2 semaphore(%run_scoped3A : memref<!tpu.dma_semaphore, #tpu.memory_space<semaphore_mem>>) src(%dma_wait3A_35 : memref<25600xi32, #tpu.memory_space<hbm>>) dst(%arg7 : memref<25600xi32, #tpu.memory_space<vmem>>)
      tpu.yield
    }) : () -> ()
    %multiple_of3A = arith.constant 0 : i32
    %multiple_of3A_3 = tpu.assume_multiple %multiple_of3A, 8 : i32
    %dma_start3A = tpu.memref_slice %arg7[%multiple_of3A_3] : memref<25600xi32, #tpu.memory_space<vmem>> -> memref<200xi32, #tpu.memory_space<vmem>>
    %dma_start3A_4 = arith.constant 0 : i32
    %dma_start3A_5 = arith.constant 0 : i32
    %dma_start3A_6 = tpu.memref_slice %arg3[%dma_start3A_4, %dma_start3A_5] : memref<1000000x64xf32, #tpu.memory_space<hbm>> -> memref<1000000x64xf32, #tpu.memory_space<hbm>>
    tpu.enqueue_indirect_dma source(%dma_start3A_6 : memref<1000000x64xf32, #tpu.memory_space<hbm>>) target(%arg8 : memref<200x64xf32, #tpu.memory_space<vmem>>) offsets(%dma_start3A : memref<200xi32, #tpu.memory_space<vmem>>) semaphore(%arg12 : memref<!tpu.dma_semaphore, #tpu.memory_space<semaphore_mem>>)
    %multiple_of3A_7 = arith.constant 200 : i32
    %multiple_of3A_8 = tpu.assume_multiple %multiple_of3A_7, 8 : i32
    %dma_start3A_9 = tpu.memref_slice %arg7[%multiple_of3A_8] : memref<25600xi32, #tpu.memory_space<vmem>> -> memref<200xi32, #tpu.memory_space<vmem>>
    %dma_start3A_10 = arith.constant 0 : i32
    %dma_start3A_11 = arith.constant 0 : i32
    %dma_start3A_12 = tpu.memref_slice %arg3[%dma_start3A_10, %dma_start3A_11] : memref<1000000x64xf32, #tpu.memory_space<hbm>> -> memref<1000000x64xf32, #tpu.memory_space<hbm>>
    tpu.enqueue_indirect_dma source(%dma_start3A_12 : memref<1000000x64xf32, #tpu.memory_space<hbm>>) target(%arg9 : memref<200x64xf32, #tpu.memory_space<vmem>>) offsets(%dma_start3A_9 : memref<200xi32, #tpu.memory_space<vmem>>) semaphore(%arg13 : memref<!tpu.dma_semaphore, #tpu.memory_space<semaphore_mem>>)
    %multiple_of3A_13 = arith.constant 400 : i32
    %multiple_of3A_14 = tpu.assume_multiple %multiple_of3A_13, 8 : i32
    %dma_start3A_15 = tpu.memref_slice %arg7[%multiple_of3A_14] : memref<25600xi32, #tpu.memory_space<vmem>> -> memref<200xi32, #tpu.memory_space<vmem>>
    %dma_start3A_16 = arith.constant 0 : i32
    %dma_start3A_17 = arith.constant 0 : i32
    %dma_start3A_18 = tpu.memref_slice %arg3[%dma_start3A_16, %dma_start3A_17] : memref<1000000x64xf32, #tpu.memory_space<hbm>> -> memref<1000000x64xf32, #tpu.memory_space<hbm>>
    tpu.enqueue_indirect_dma source(%dma_start3A_18 : memref<1000000x64xf32, #tpu.memory_space<hbm>>) target(%arg10 : memref<200x64xf32, #tpu.memory_space<vmem>>) offsets(%dma_start3A_15 : memref<200xi32, #tpu.memory_space<vmem>>) semaphore(%arg14 : memref<!tpu.dma_semaphore, #tpu.memory_space<semaphore_mem>>)
    %scan3A = arith.constant 0 : i32
    %scan3A_19 = arith.constant 0 : i32
    %scan3A_20 = arith.constant 32 : i32
    %scan3A_21 = arith.addi %scan3A_19, %scan3A_20 : i32
    %scan3A_22 = arith.constant 1 : i32
    scf.for %scan3A_32 = %scan3A_19 to %scan3A_21 step %scan3A_22  : i32 {
      %mul3A_33 = arith.constant 4 : i32
      %mul3A_34 = arith.muli %scan3A_32, %mul3A_33 : i32
      %add3A_35 = arith.constant 0 : i32
      %add3A_36 = arith.addi %mul3A_34, %add3A_35 : i32
      %dma_wait3A_37 = arith.constant 0 : i32
      %dma_wait3A_38 = tpu.memref_slice %arg7[%dma_wait3A_37] : memref<25600xi32, #tpu.memory_space<vmem>> -> memref<200xi32, #tpu.memory_space<vmem>>
      %dma_wait3A_39 = arith.constant 0 : i32
      %dma_wait3A_40 = arith.constant 0 : i32
      %dma_wait3A_41 = tpu.memref_slice %arg3[%dma_wait3A_39, %dma_wait3A_40] : memref<1000000x64xf32, #tpu.memory_space<hbm>> -> memref<1000000x64xf32, #tpu.memory_space<hbm>>
      tpu.wait_indirect_dma semaphore(%arg12 : memref<!tpu.dma_semaphore, #tpu.memory_space<semaphore_mem>>) src(%dma_wait3A_41 : memref<1000000x64xf32, #tpu.memory_space<hbm>>) dst(%arg8 : memref<200x64xf32, #tpu.memory_space<vmem>>)
      %scan3A_42 = arith.constant 0 : i32
      %scan3A_43 = arith.constant 0 : i32
      %scan3A_44 = arith.constant 50 : i32
      %scan3A_45 = arith.addi %scan3A_43, %scan3A_44 : i32
      %scan3A_46 = arith.constant 1 : i32
      scf.for %scan3A_182 = %scan3A_43 to %scan3A_45 step %scan3A_46  : i32 {
        %mul3A_183 = arith.constant 4 : i32
        %mul3A_184 = arith.muli %scan3A_182, %mul3A_183 : i32
        %add3A_185 = arith.constant 0 : i32
        %add3A_186 = arith.addi %mul3A_184, %add3A_185 : i32
        %get3A = arith.index_cast %add3A_186 : i32 to index
        %get3A_187 = arith.constant 0 : index
        %get3A_188 = tpu.vector_load %arg6[%get3A, %get3A_187] {strides = array<i32>} : memref<200x64xf32, #tpu.memory_space<vmem>>, vector<1x16xf32>,
        %get3A_189 = vector.shape_cast %get3A_188 : vector<1x16xf32> to vector<16xf32>
        %swap3A = arith.index_cast %add3A_186 : i32 to index
        %swap3A_190 = arith.constant 0 : index
        %swap3A_191 = tpu.vector_load %arg8[%swap3A, %swap3A_190] {strides = array<i32>} : memref<200x64xf32, #tpu.memory_space<vmem>>, vector<1x16xf32>,
        %swap3A_192 = vector.shape_cast %swap3A_191 : vector<1x16xf32> to vector<16xf32>
        %swap3A_193 = vector.shape_cast %get3A_189 : vector<16xf32> to vector<1x16xf32>
        tpu.vector_store %arg8[%swap3A, %swap3A_190], %swap3A_193 {add = true, strides = array<i32>} : memref<200x64xf32, #tpu.memory_space<vmem>>, vector<1x16xf32>,
        %get3A_194 = arith.index_cast %add3A_186 : i32 to index
        %get3A_195 = arith.constant 16 : index
        %get3A_196 = tpu.vector_load %arg6[%get3A_194, %get3A_195] {strides = array<i32>} : memref<200x64xf32, #tpu.memory_space<vmem>>, vector<1x16xf32>,
        %get3A_197 = vector.shape_cast %get3A_196 : vector<1x16xf32> to vector<16xf32>
        %swap3A_198 = arith.index_cast %add3A_186 : i32 to index
        %swap3A_199 = arith.constant 16 : index
        %swap3A_200 = tpu.vector_load %arg8[%swap3A_198, %swap3A_199] {strides = array<i32>} : memref<200x64xf32, #tpu.memory_space<vmem>>, vector<1x16xf32>,
        %swap3A_201 = vector.shape_cast %swap3A_200 : vector<1x16xf32> to vector<16xf32>
        %swap3A_202 = vector.shape_cast %get3A_197 : vector<16xf32> to vector<1x16xf32>
        tpu.vector_store %arg8[%swap3A_198, %swap3A_199], %swap3A_202 {add = true, strides = array<i32>} : memref<200x64xf32, #tpu.memory_space<vmem>>, vector<1x16xf32>,
        %get3A_203 = arith.index_cast %add3A_186 : i32 to index
        %get3A_204 = arith.constant 32 : index
        %get3A_205 = tpu.vector_load %arg6[%get3A_203, %get3A_204] {strides = array<i32>} : memref<200x64xf32, #tpu.memory_space<vmem>>, vector<1x16xf32>,
        %get3A_206 = vector.shape_cast %get3A_205 : vector<1x16xf32> to vector<16xf32>
        %swap3A_207 = arith.index_cast %add3A_186 : i32 to index
        %swap3A_208 = arith.constant 32 : index
        %swap3A_209 = tpu.vector_load %arg8[%swap3A_207, %swap3A_208] {strides = array<i32>} : memref<200x64xf32, #tpu.memory_space<vmem>>, vector<1x16xf32>,
        %swap3A_210 = vector.shape_cast %swap3A_209 : vector<1x16xf32> to vector<16xf32>
        %swap3A_211 = vector.shape_cast %get3A_206 : vector<16xf32> to vector<1x16xf32>
        tpu.vector_store %arg8[%swap3A_207, %swap3A_208], %swap3A_211 {add = true, strides = array<i32>} : memref<200x64xf32, #tpu.memory_space<vmem>>, vector<1x16xf32>,
        %get3A_212 = arith.index_cast %add3A_186 : i32 to index
        %get3A_213 = arith.constant 48 : index
        %get3A_214 = tpu.vector_load %arg6[%get3A_212, %get3A_213] {strides = array<i32>} : memref<200x64xf32, #tpu.memory_space<vmem>>, vector<1x16xf32>,
        %get3A_215 = vector.shape_cast %get3A_214 : vector<1x16xf32> to vector<16xf32>
        %swap3A_216 = arith.index_cast %add3A_186 : i32 to index
        %swap3A_217 = arith.constant 48 : index
        %swap3A_218 = tpu.vector_load %arg8[%swap3A_216, %swap3A_217] {strides = array<i32>} : memref<200x64xf32, #tpu.memory_space<vmem>>, vector<1x16xf32>,
        %swap3A_219 = vector.shape_cast %swap3A_218 : vector<1x16xf32> to vector<16xf32>
        %swap3A_220 = vector.shape_cast %get3A_215 : vector<16xf32> to vector<1x16xf32>
        tpu.vector_store %arg8[%swap3A_216, %swap3A_217], %swap3A_220 {add = true, strides = array<i32>} : memref<200x64xf32, #tpu.memory_space<vmem>>, vector<1x16xf32>,
        %mul3A_221 = arith.constant 4 : i32
        %mul3A_222 = arith.muli %scan3A_182, %mul3A_221 : i32
        %add3A_223 = arith.constant 1 : i32
        %add3A_224 = arith.addi %mul3A_222, %add3A_223 : i32
        %get3A_225 = arith.index_cast %add3A_224 : i32 to index
        %get3A_226 = arith.constant 0 : index
        %get3A_227 = tpu.vector_load %arg6[%get3A_225, %get3A_226] {strides = array<i32>} : memref<200x64xf32, #tpu.memory_space<vmem>>, vector<1x16xf32>,
        %get3A_228 = vector.shape_cast %get3A_227 : vector<1x16xf32> to vector<16xf32>
        %swap3A_229 = arith.index_cast %add3A_224 : i32 to index
        %swap3A_230 = arith.constant 0 : index
        %swap3A_231 = tpu.vector_load %arg8[%swap3A_229, %swap3A_230] {strides = array<i32>} : memref<200x64xf32, #tpu.memory_space<vmem>>, vector<1x16xf32>,
        %swap3A_232 = vector.shape_cast %swap3A_231 : vector<1x16xf32> to vector<16xf32>
        %swap3A_233 = vector.shape_cast %get3A_228 : vector<16xf32> to vector<1x16xf32>
        tpu.vector_store %arg8[%swap3A_229, %swap3A_230], %swap3A_233 {add = true, strides = array<i32>} : memref<200x64xf32, #tpu.memory_space<vmem>>, vector<1x16xf32>,
        %get3A_234 = arith.index_cast %add3A_224 : i32 to index
        %get3A_235 = arith.constant 16 : index
        %get3A_236 = tpu.vector_load %arg6[%get3A_234, %get3A_235] {strides = array<i32>} : memref<200x64xf32, #tpu.memory_space<vmem>>, vector<1x16xf32>,
        %get3A_237 = vector.shape_cast %get3A_236 : vector<1x16xf32> to vector<16xf32>
        %swap3A_238 = arith.index_cast %add3A_224 : i32 to index
        %swap3A_239 = arith.constant 16 : index
        %swap3A_240 = tpu.vector_load %arg8[%swap3A_238, %swap3A_239] {strides = array<i32>} : memref<200x64xf32, #tpu.memory_space<vmem>>, vector<1x16xf32>,
        %swap3A_241 = vector.shape_cast %swap3A_240 : vector<1x16xf32> to vector<16xf32>
        %swap3A_242 = vector.shape_cast %get3A_237 : vector<16xf32> to vector<1x16xf32>
        tpu.vector_store %arg8[%swap3A_238, %swap3A_239], %swap3A_242 {add = true, strides = array<i32>} : memref<200x64xf32, #tpu.memory_space<vmem>>, vector<1x16xf32>,
        %get3A_243 = arith.index_cast %add3A_224 : i32 to index
        %get3A_244 = arith.constant 32 : index
        %get3A_245 = tpu.vector_load %arg6[%get3A_243, %get3A_244] {strides = array<i32>} : memref<200x64xf32, #tpu.memory_space<vmem>>, vector<1x16xf32>,
        %get3A_246 = vector.shape_cast %get3A_245 : vector<1x16xf32> to vector<16xf32>
        %swap3A_247 = arith.index_cast %add3A_224 : i32 to index
        %swap3A_248 = arith.constant 32 : index
        %swap3A_249 = tpu.vector_load %arg8[%swap3A_247, %swap3A_248] {strides = array<i32>} : memref<200x64xf32, #tpu.memory_space<vmem>>, vector<1x16xf32>,
        %swap3A_250 = vector.shape_cast %swap3A_249 : vector<1x16xf32> to vector<16xf32>
        %swap3A_251 = vector.shape_cast %get3A_246 : vector<16xf32> to vector<1x16xf32>
        tpu.vector_store %arg8[%swap3A_247, %swap3A_248], %swap3A_251 {add = true, strides = array<i32>} : memref<200x64xf32, #tpu.memory_space<vmem>>, vector<1x16xf32>,
        %get3A_252 = arith.index_cast %add3A_224 : i32 to index
        %get3A_253 = arith.constant 48 : index
        %get3A_254 = tpu.vector_load %arg6[%get3A_252, %get3A_253] {strides = array<i32>} : memref<200x64xf32, #tpu.memory_space<vmem>>, vector<1x16xf32>,
        %get3A_255 = vector.shape_cast %get3A_254 : vector<1x16xf32> to vector<16xf32>
        %swap3A_256 = arith.index_cast %add3A_224 : i32 to index
        %swap3A_257 = arith.constant 48 : index
        %swap3A_258 = tpu.vector_load %arg8[%swap3A_256, %swap3A_257] {strides = array<i32>} : memref<200x64xf32, #tpu.memory_space<vmem>>, vector<1x16xf32>,
        %swap3A_259 = vector.shape_cast %swap3A_258 : vector<1x16xf32> to vector<16xf32>
        %swap3A_260 = vector.shape_cast %get3A_255 : vector<16xf32> to vector<1x16xf32>
        tpu.vector_store %arg8[%swap3A_256, %swap3A_257], %swap3A_260 {add = true, strides = array<i32>} : memref<200x64xf32, #tpu.memory_space<vmem>>, vector<1x16xf32>,
        %mul3A_261 = arith.constant 4 : i32
        %mul3A_262 = arith.muli %scan3A_182, %mul3A_261 : i32
        %add3A_263 = arith.constant 2 : i32
        %add3A_264 = arith.addi %mul3A_262, %add3A_263 : i32
        %get3A_265 = arith.index_cast %add3A_264 : i32 to index
        %get3A_266 = arith.constant 0 : index
        %get3A_267 = tpu.vector_load %arg6[%get3A_265, %get3A_266] {strides = array<i32>} : memref<200x64xf32, #tpu.memory_space<vmem>>, vector<1x16xf32>,
        %get3A_268 = vector.shape_cast %get3A_267 : vector<1x16xf32> to vector<16xf32>
        %swap3A_269 = arith.index_cast %add3A_264 : i32 to index
        %swap3A_270 = arith.constant 0 : index
        %swap3A_271 = tpu.vector_load %arg8[%swap3A_269, %swap3A_270] {strides = array<i32>} : memref<200x64xf32, #tpu.memory_space<vmem>>, vector<1x16xf32>,
        %swap3A_272 = vector.shape_cast %swap3A_271 : vector<1x16xf32> to vector<16xf32>
        %swap3A_273 = vector.shape_cast %get3A_268 : vector<16xf32> to vector<1x16xf32>
        tpu.vector_store %arg8[%swap3A_269, %swap3A_270], %swap3A_273 {add = true, strides = array<i32>} : memref<200x64xf32, #tpu.memory_space<vmem>>, vector<1x16xf32>,
        %get3A_274 = arith.index_cast %add3A_264 : i32 to index
        %get3A_275 = arith.constant 16 : index
        %get3A_276 = tpu.vector_load %arg6[%get3A_274, %get3A_275] {strides = array<i32>} : memref<200x64xf32, #tpu.memory_space<vmem>>, vector<1x16xf32>,
        %get3A_277 = vector.shape_cast %get3A_276 : vector<1x16xf32> to vector<16xf32>
        %swap3A_278 = arith.index_cast %add3A_264 : i32 to index
        %swap3A_279 = arith.constant 16 : index
        %swap3A_280 = tpu.vector_load %arg8[%swap3A_278, %swap3A_279] {strides = array<i32>} : memref<200x64xf32, #tpu.memory_space<vmem>>, vector<1x16xf32>,
        %swap3A_281 = vector.shape_cast %swap3A_280 : vector<1x16xf32> to vector<16xf32>
        %swap3A_282 = vector.shape_cast %get3A_277 : vector<16xf32> to vector<1x16xf32>
        tpu.vector_store %arg8[%swap3A_278, %swap3A_279], %swap3A_282 {add = true, strides = array<i32>} : memref<200x64xf32, #tpu.memory_space<vmem>>, vector<1x16xf32>,
        %get3A_283 = arith.index_cast %add3A_264 : i32 to index
        %get3A_284 = arith.constant 32 : index
        %get3A_285 = tpu.vector_load %arg6[%get3A_283, %get3A_284] {strides = array<i32>} : memref<200x64xf32, #tpu.memory_space<vmem>>, vector<1x16xf32>,
        %get3A_286 = vector.shape_cast %get3A_285 : vector<1x16xf32> to vector<16xf32>
        %swap3A_287 = arith.index_cast %add3A_264 : i32 to index
        %swap3A_288 = arith.constant 32 : index
        %swap3A_289 = tpu.vector_load %arg8[%swap3A_287, %swap3A_288] {strides = array<i32>} : memref<200x64xf32, #tpu.memory_space<vmem>>, vector<1x16xf32>,
        %swap3A_290 = vector.shape_cast %swap3A_289 : vector<1x16xf32> to vector<16xf32>
        %swap3A_291 = vector.shape_cast %get3A_286 : vector<16xf32> to vector<1x16xf32>
        tpu.vector_store %arg8[%swap3A_287, %swap3A_288], %swap3A_291 {add = true, strides = array<i32>} : memref<200x64xf32, #tpu.memory_space<vmem>>, vector<1x16xf32>,
        %get3A_292 = arith.index_cast %add3A_264 : i32 to index
        %get3A_293 = arith.constant 48 : index
        %get3A_294 = tpu.vector_load %arg6[%get3A_292, %get3A_293] {strides = array<i32>} : memref<200x64xf32, #tpu.memory_space<vmem>>, vector<1x16xf32>,
        %get3A_295 = vector.shape_cast %get3A_294 : vector<1x16xf32> to vector<16xf32>
        %swap3A_296 = arith.index_cast %add3A_264 : i32 to index
        %swap3A_297 = arith.constant 48 : index
        %swap3A_298 = tpu.vector_load %arg8[%swap3A_296, %swap3A_297] {strides = array<i32>} : memref<200x64xf32, #tpu.memory_space<vmem>>, vector<1x16xf32>,
        %swap3A_299 = vector.shape_cast %swap3A_298 : vector<1x16xf32> to vector<16xf32>
        %swap3A_300 = vector.shape_cast %get3A_295 : vector<16xf32> to vector<1x16xf32>
        tpu.vector_store %arg8[%swap3A_296, %swap3A_297], %swap3A_300 {add = true, strides = array<i32>} : memref<200x64xf32, #tpu.memory_space<vmem>>, vector<1x16xf32>,
        %mul3A_301 = arith.constant 4 : i32
        %mul3A_302 = arith.muli %scan3A_182, %mul3A_301 : i32
        %add3A_303 = arith.constant 3 : i32
        %add3A_304 = arith.addi %mul3A_302, %add3A_303 : i32
        %get3A_305 = arith.index_cast %add3A_304 : i32 to index
        %get3A_306 = arith.constant 0 : index
        %get3A_307 = tpu.vector_load %arg6[%get3A_305, %get3A_306] {strides = array<i32>} : memref<200x64xf32, #tpu.memory_space<vmem>>, vector<1x16xf32>,
        %get3A_308 = vector.shape_cast %get3A_307 : vector<1x16xf32> to vector<16xf32>
        %swap3A_309 = arith.index_cast %add3A_304 : i32 to index
        %swap3A_310 = arith.constant 0 : index
        %swap3A_311 = tpu.vector_load %arg8[%swap3A_309, %swap3A_310] {strides = array<i32>} : memref<200x64xf32, #tpu.memory_space<vmem>>, vector<1x16xf32>,
        %swap3A_312 = vector.shape_cast %swap3A_311 : vector<1x16xf32> to vector<16xf32>
        %swap3A_313 = vector.shape_cast %get3A_308 : vector<16xf32> to vector<1x16xf32>
        tpu.vector_store %arg8[%swap3A_309, %swap3A_310], %swap3A_313 {add = true, strides = array<i32>} : memref<200x64xf32, #tpu.memory_space<vmem>>, vector<1x16xf32>,
        %get3A_314 = arith.index_cast %add3A_304 : i32 to index
        %get3A_315 = arith.constant 16 : index
        %get3A_316 = tpu.vector_load %arg6[%get3A_314, %get3A_315] {strides = array<i32>} : memref<200x64xf32, #tpu.memory_space<vmem>>, vector<1x16xf32>,
        %get3A_317 = vector.shape_cast %get3A_316 : vector<1x16xf32> to vector<16xf32>
        %swap3A_318 = arith.index_cast %add3A_304 : i32 to index
        %swap3A_319 = arith.constant 16 : index
        %swap3A_320 = tpu.vector_load %arg8[%swap3A_318, %swap3A_319] {strides = array<i32>} : memref<200x64xf32, #tpu.memory_space<vmem>>, vector<1x16xf32>,
        %swap3A_321 = vector.shape_cast %swap3A_320 : vector<1x16xf32> to vector<16xf32>
        %swap3A_322 = vector.shape_cast %get3A_317 : vector<16xf32> to vector<1x16xf32>
        tpu.vector_store %arg8[%swap3A_318, %swap3A_319], %swap3A_322 {add = true, strides = array<i32>} : memref<200x64xf32, #tpu.memory_space<vmem>>, vector<1x16xf32>,
        %get3A_323 = arith.index_cast %add3A_304 : i32 to index
        %get3A_324 = arith.constant 32 : index
        %get3A_325 = tpu.vector_load %arg6[%get3A_323, %get3A_324] {strides = array<i32>} : memref<200x64xf32, #tpu.memory_space<vmem>>, vector<1x16xf32>,
        %get3A_326 = vector.shape_cast %get3A_325 : vector<1x16xf32> to vector<16xf32>
        %swap3A_327 = arith.index_cast %add3A_304 : i32 to index
        %swap3A_328 = arith.constant 32 : index
        %swap3A_329 = tpu.vector_load %arg8[%swap3A_327, %swap3A_328] {strides = array<i32>} : memref<200x64xf32, #tpu.memory_space<vmem>>, vector<1x16xf32>,
        %swap3A_330 = vector.shape_cast %swap3A_329 : vector<1x16xf32> to vector<16xf32>
        %swap3A_331 = vector.shape_cast %get3A_326 : vector<16xf32> to vector<1x16xf32>
        tpu.vector_store %arg8[%swap3A_327, %swap3A_328], %swap3A_331 {add = true, strides = array<i32>} : memref<200x64xf32, #tpu.memory_space<vmem>>, vector<1x16xf32>,
        %get3A_332 = arith.index_cast %add3A_304 : i32 to index
        %get3A_333 = arith.constant 48 : index
        %get3A_334 = tpu.vector_load %arg6[%get3A_332, %get3A_333] {strides = array<i32>} : memref<200x64xf32, #tpu.memory_space<vmem>>, vector<1x16xf32>,
        %get3A_335 = vector.shape_cast %get3A_334 : vector<1x16xf32> to vector<16xf32>
        %swap3A_336 = arith.index_cast %add3A_304 : i32 to index
        %swap3A_337 = arith.constant 48 : index
        %swap3A_338 = tpu.vector_load %arg8[%swap3A_336, %swap3A_337] {strides = array<i32>} : memref<200x64xf32, #tpu.memory_space<vmem>>, vector<1x16xf32>,
        %swap3A_339 = vector.shape_cast %swap3A_338 : vector<1x16xf32> to vector<16xf32>
        %swap3A_340 = vector.shape_cast %get3A_335 : vector<16xf32> to vector<1x16xf32>
        tpu.vector_store %arg8[%swap3A_336, %swap3A_337], %swap3A_340 {add = true, strides = array<i32>} : memref<200x64xf32, #tpu.memory_space<vmem>>, vector<1x16xf32>,
      }
      %scan3A_47 = arith.constant 50 : i32
      %mul3A_48 = arith.constant 128 : i32
      %mul3A_49 = arith.muli %add3A, %mul3A_48 : i32
      %add3A_50 = arith.addi %mul3A_49, %add3A_36 : i32
      %dma_start3A_51 = arith.constant 0 : i32
      %dma_start3A_52 = arith.constant 0 : i32
      %dma_start3A_53 = tpu.memref_slice %arg5[%add3A_50, %dma_start3A_51, %dma_start3A_52] : memref<4096x200x64xf32, #tpu.memory_space<hbm>> -> memref<1x200x64xf32, #tpu.memory_space<hbm>>
      %dma_start3A_54 = tpu.memref_squeeze %dma_start3A_53 : memref<1x200x64xf32, #tpu.memory_space<hbm>> -> memref<200x64xf32, #tpu.memory_space<hbm>>
      %dma_start3A_55 = arith.constant 0 : i32
      %dma_start3A_56 = arith.constant 0 : i32
      %dma_start3A_57 = tpu.memref_slice %arg5[%add3A_50, %dma_start3A_55, %dma_start3A_56] : memref<4096x200x64xf32, #tpu.memory_space<hbm>> -> memref<1x200x64xf32, #tpu.memory_space<hbm>>
      %dma_start3A_58 = tpu.memref_squeeze %dma_start3A_57 : memref<1x200x64xf32, #tpu.memory_space<hbm>> -> memref<200x64xf32, #tpu.memory_space<hbm>>
      tpu.enqueue_dma source(%arg8 : memref<200x64xf32, #tpu.memory_space<vmem>>) target(%dma_start3A_58 : memref<200x64xf32, #tpu.memory_space<hbm>>) target_semaphore(%arg16 : memref<!tpu.dma_semaphore, #tpu.memory_space<semaphore_mem>>)
      %ge3A = arith.constant 1 : i32
      %ge3A_59 = arith.cmpi sge, %add3A_36, %ge3A : i32
      %convert_element_type3A = arith.extui %ge3A_59 : i1 to i32
      %cond3A = arith.constant 0 : i32
      %cond3A_60 = arith.cmpi ne, %convert_element_type3A, %cond3A : i32
      scf.if %cond3A_60 {
        %dma_wait3A_182 = arith.constant 0 : i32
        %dma_wait3A_183 = arith.constant 0 : i32
        %dma_wait3A_184 = arith.constant 0 : i32
        %dma_wait3A_185 = tpu.memref_slice %arg5[%dma_wait3A_182, %dma_wait3A_183, %dma_wait3A_184] : memref<4096x200x64xf32, #tpu.memory_space<hbm>> -> memref<1x200x64xf32, #tpu.memory_space<hbm>>
        %dma_wait3A_186 = tpu.memref_squeeze %dma_wait3A_185 : memref<1x200x64xf32, #tpu.memory_space<hbm>> -> memref<200x64xf32, #tpu.memory_space<hbm>>
        %dma_wait3A_187 = arith.constant 0 : i32
        %dma_wait3A_188 = arith.constant 0 : i32
        %dma_wait3A_189 = tpu.memref_slice %arg5[%dma_wait3A_182, %dma_wait3A_187, %dma_wait3A_188] : memref<4096x200x64xf32, #tpu.memory_space<hbm>> -> memref<1x200x64xf32, #tpu.memory_space<hbm>>
        %dma_wait3A_190 = tpu.memref_squeeze %dma_wait3A_189 : memref<1x200x64xf32, #tpu.memory_space<hbm>> -> memref<200x64xf32, #tpu.memory_space<hbm>>
        tpu.wait_dma2 semaphore(%arg19 : memref<!tpu.dma_semaphore, #tpu.memory_space<semaphore_mem>>) src(%arg11 : memref<200x64xf32, #tpu.memory_space<vmem>>) dst(%dma_wait3A_190 : memref<200x64xf32, #tpu.memory_space<hbm>>)
      } else {
      }
      %add3A_61 = arith.constant 4 : i32
      %add3A_62 = arith.addi %add3A_36, %add3A_61 : i32
      %sub3A = arith.constant 1 : i32
      %sub3A_63 = arith.subi %add3A_62, %sub3A : i32
      %lt3A = arith.constant 128 : i32
      %lt3A_64 = arith.cmpi slt, %sub3A_63, %lt3A : i32
      %convert_element_type3A_65 = arith.extui %lt3A_64 : i1 to i32
      %cond3A_66 = arith.constant 0 : i32
      %cond3A_67 = arith.cmpi ne, %convert_element_type3A_65, %cond3A_66 : i32
      scf.if %cond3A_67 {
        %add3A_182 = arith.constant 4 : i32
        %add3A_183 = arith.addi %add3A_36, %add3A_182 : i32
        %sub3A_184 = arith.constant 1 : i32
        %sub3A_185 = arith.subi %add3A_183, %sub3A_184 : i32
        %mul3A_186 = arith.constant 200 : i32
        %mul3A_187 = arith.muli %sub3A_185, %mul3A_186 : i32
        %multiple_of3A_188 = tpu.assume_multiple %mul3A_187, 8 : i32
        %dma_start3A_189 = tpu.memref_slice %arg7[%multiple_of3A_188] : memref<25600xi32, #tpu.memory_space<vmem>> -> memref<200xi32, #tpu.memory_space<vmem>>
        %dma_start3A_190 = arith.constant 0 : i32
        %dma_start3A_191 = arith.constant 0 : i32
        %dma_start3A_192 = tpu.memref_slice %arg3[%dma_start3A_190, %dma_start3A_191] : memref<1000000x64xf32, #tpu.memory_space<hbm>> -> memref<1000000x64xf32, #tpu.memory_space<hbm>>
        tpu.enqueue_indirect_dma source(%dma_start3A_192 : memref<1000000x64xf32, #tpu.memory_space<hbm>>) target(%arg11 : memref<200x64xf32, #tpu.memory_space<vmem>>) offsets(%dma_start3A_189 : memref<200xi32, #tpu.memory_space<vmem>>) semaphore(%arg15 : memref<!tpu.dma_semaphore, #tpu.memory_space<semaphore_mem>>)
      } else {
      }
      %add3A_68 = arith.constant 1 : i32
      %add3A_69 = arith.addi %mul3A_34, %add3A_68 : i32
      %dma_wait3A_70 = arith.constant 0 : i32
      %dma_wait3A_71 = tpu.memref_slice %arg7[%dma_wait3A_70] : memref<25600xi32, #tpu.memory_space<vmem>> -> memref<200xi32, #tpu.memory_space<vmem>>
      %dma_wait3A_72 = arith.constant 0 : i32
      %dma_wait3A_73 = arith.constant 0 : i32
      %dma_wait3A_74 = tpu.memref_slice %arg3[%dma_wait3A_72, %dma_wait3A_73] : memref<1000000x64xf32, #tpu.memory_space<hbm>> -> memref<1000000x64xf32, #tpu.memory_space<hbm>>
      tpu.wait_indirect_dma semaphore(%arg13 : memref<!tpu.dma_semaphore, #tpu.memory_space<semaphore_mem>>) src(%dma_wait3A_74 : memref<1000000x64xf32, #tpu.memory_space<hbm>>) dst(%arg9 : memref<200x64xf32, #tpu.memory_space<vmem>>)
      %scan3A_75 = arith.constant 0 : i32
      %scan3A_76 = arith.constant 0 : i32
      %scan3A_77 = arith.constant 50 : i32
      %scan3A_78 = arith.addi %scan3A_76, %scan3A_77 : i32
      %scan3A_79 = arith.constant 1 : i32
      scf.for %scan3A_182 = %scan3A_76 to %scan3A_78 step %scan3A_79  : i32 {
        %mul3A_183 = arith.constant 4 : i32
        %mul3A_184 = arith.muli %scan3A_182, %mul3A_183 : i32
        %add3A_185 = arith.constant 0 : i32
        %add3A_186 = arith.addi %mul3A_184, %add3A_185 : i32
        %get3A = arith.index_cast %add3A_186 : i32 to index
        %get3A_187 = arith.constant 0 : index
        %get3A_188 = tpu.vector_load %arg6[%get3A, %get3A_187] {strides = array<i32>} : memref<200x64xf32, #tpu.memory_space<vmem>>, vector<1x16xf32>,
        %get3A_189 = vector.shape_cast %get3A_188 : vector<1x16xf32> to vector<16xf32>
        %swap3A = arith.index_cast %add3A_186 : i32 to index
        %swap3A_190 = arith.constant 0 : index
        %swap3A_191 = tpu.vector_load %arg9[%swap3A, %swap3A_190] {strides = array<i32>} : memref<200x64xf32, #tpu.memory_space<vmem>>, vector<1x16xf32>,
        %swap3A_192 = vector.shape_cast %swap3A_191 : vector<1x16xf32> to vector<16xf32>
        %swap3A_193 = vector.shape_cast %get3A_189 : vector<16xf32> to vector<1x16xf32>
        tpu.vector_store %arg9[%swap3A, %swap3A_190], %swap3A_193 {add = true, strides = array<i32>} : memref<200x64xf32, #tpu.memory_space<vmem>>, vector<1x16xf32>,
        %get3A_194 = arith.index_cast %add3A_186 : i32 to index
        %get3A_195 = arith.constant 16 : index
        %get3A_196 = tpu.vector_load %arg6[%get3A_194, %get3A_195] {strides = array<i32>} : memref<200x64xf32, #tpu.memory_space<vmem>>, vector<1x16xf32>,
        %get3A_197 = vector.shape_cast %get3A_196 : vector<1x16xf32> to vector<16xf32>
        %swap3A_198 = arith.index_cast %add3A_186 : i32 to index
        %swap3A_199 = arith.constant 16 : index
        %swap3A_200 = tpu.vector_load %arg9[%swap3A_198, %swap3A_199] {strides = array<i32>} : memref<200x64xf32, #tpu.memory_space<vmem>>, vector<1x16xf32>,
        %swap3A_201 = vector.shape_cast %swap3A_200 : vector<1x16xf32> to vector<16xf32>
        %swap3A_202 = vector.shape_cast %get3A_197 : vector<16xf32> to vector<1x16xf32>
        tpu.vector_store %arg9[%swap3A_198, %swap3A_199], %swap3A_202 {add = true, strides = array<i32>} : memref<200x64xf32, #tpu.memory_space<vmem>>, vector<1x16xf32>,
        %get3A_203 = arith.index_cast %add3A_186 : i32 to index
        %get3A_204 = arith.constant 32 : index
        %get3A_205 = tpu.vector_load %arg6[%get3A_203, %get3A_204] {strides = array<i32>} : memref<200x64xf32, #tpu.memory_space<vmem>>, vector<1x16xf32>,
        %get3A_206 = vector.shape_cast %get3A_205 : vector<1x16xf32> to vector<16xf32>
        %swap3A_207 = arith.index_cast %add3A_186 : i32 to index
        %swap3A_208 = arith.constant 32 : index
        %swap3A_209 = tpu.vector_load %arg9[%swap3A_207, %swap3A_208] {strides = array<i32>} : memref<200x64xf32, #tpu.memory_space<vmem>>, vector<1x16xf32>,
        %swap3A_210 = vector.shape_cast %swap3A_209 : vector<1x16xf32> to vector<16xf32>
        %swap3A_211 = vector.shape_cast %get3A_206 : vector<16xf32> to vector<1x16xf32>
        tpu.vector_store %arg9[%swap3A_207, %swap3A_208], %swap3A_211 {add = true, strides = array<i32>} : memref<200x64xf32, #tpu.memory_space<vmem>>, vector<1x16xf32>,
        %get3A_212 = arith.index_cast %add3A_186 : i32 to index
        %get3A_213 = arith.constant 48 : index
        %get3A_214 = tpu.vector_load %arg6[%get3A_212, %get3A_213] {strides = array<i32>} : memref<200x64xf32, #tpu.memory_space<vmem>>, vector<1x16xf32>,
        %get3A_215 = vector.shape_cast %get3A_214 : vector<1x16xf32> to vector<16xf32>
        %swap3A_216 = arith.index_cast %add3A_186 : i32 to index
        %swap3A_217 = arith.constant 48 : index
        %swap3A_218 = tpu.vector_load %arg9[%swap3A_216, %swap3A_217] {strides = array<i32>} : memref<200x64xf32, #tpu.memory_space<vmem>>, vector<1x16xf32>,
        %swap3A_219 = vector.shape_cast %swap3A_218 : vector<1x16xf32> to vector<16xf32>
        %swap3A_220 = vector.shape_cast %get3A_215 : vector<16xf32> to vector<1x16xf32>
        tpu.vector_store %arg9[%swap3A_216, %swap3A_217], %swap3A_220 {add = true, strides = array<i32>} : memref<200x64xf32, #tpu.memory_space<vmem>>, vector<1x16xf32>,
        %mul3A_221 = arith.constant 4 : i32
        %mul3A_222 = arith.muli %scan3A_182, %mul3A_221 : i32
        %add3A_223 = arith.constant 1 : i32
        %add3A_224 = arith.addi %mul3A_222, %add3A_223 : i32
        %get3A_225 = arith.index_cast %add3A_224 : i32 to index
        %get3A_226 = arith.constant 0 : index
        %get3A_227 = tpu.vector_load %arg6[%get3A_225, %get3A_226] {strides = array<i32>} : memref<200x64xf32, #tpu.memory_space<vmem>>, vector<1x16xf32>,
        %get3A_228 = vector.shape_cast %get3A_227 : vector<1x16xf32> to vector<16xf32>
        %swap3A_229 = arith.index_cast %add3A_224 : i32 to index
        %swap3A_230 = arith.constant 0 : index
        %swap3A_231 = tpu.vector_load %arg9[%swap3A_229, %swap3A_230] {strides = array<i32>} : memref<200x64xf32, #tpu.memory_space<vmem>>, vector<1x16xf32>,
        %swap3A_232 = vector.shape_cast %swap3A_231 : vector<1x16xf32> to vector<16xf32>
        %swap3A_233 = vector.shape_cast %get3A_228 : vector<16xf32> to vector<1x16xf32>
        tpu.vector_store %arg9[%swap3A_229, %swap3A_230], %swap3A_233 {add = true, strides = array<i32>} : memref<200x64xf32, #tpu.memory_space<vmem>>, vector<1x16xf32>,
        %get3A_234 = arith.index_cast %add3A_224 : i32 to index
        %get3A_235 = arith.constant 16 : index
        %get3A_236 = tpu.vector_load %arg6[%get3A_234, %get3A_235] {strides = array<i32>} : memref<200x64xf32, #tpu.memory_space<vmem>>, vector<1x16xf32>,
        %get3A_237 = vector.shape_cast %get3A_236 : vector<1x16xf32> to vector<16xf32>
        %swap3A_238 = arith.index_cast %add3A_224 : i32 to index
        %swap3A_239 = arith.constant 16 : index
        %swap3A_240 = tpu.vector_load %arg9[%swap3A_238, %swap3A_239] {strides = array<i32>} : memref<200x64xf32, #tpu.memory_space<vmem>>, vector<1x16xf32>,
        %swap3A_241 = vector.shape_cast %swap3A_240 : vector<1x16xf32> to vector<16xf32>
        %swap3A_242 = vector.shape_cast %get3A_237 : vector<16xf32> to vector<1x16xf32>
        tpu.vector_store %arg9[%swap3A_238, %swap3A_239], %swap3A_242 {add = true, strides = array<i32>} : memref<200x64xf32, #tpu.memory_space<vmem>>, vector<1x16xf32>,
        %get3A_243 = arith.index_cast %add3A_224 : i32 to index
        %get3A_244 = arith.constant 32 : index
        %get3A_245 = tpu.vector_load %arg6[%get3A_243, %get3A_244] {strides = array<i32>} : memref<200x64xf32, #tpu.memory_space<vmem>>, vector<1x16xf32>,
        %get3A_246 = vector.shape_cast %get3A_245 : vector<1x16xf32> to vector<16xf32>
        %swap3A_247 = arith.index_cast %add3A_224 : i32 to index
        %swap3A_248 = arith.constant 32 : index
        %swap3A_249 = tpu.vector_load %arg9[%swap3A_247, %swap3A_248] {strides = array<i32>} : memref<200x64xf32, #tpu.memory_space<vmem>>, vector<1x16xf32>,
        %swap3A_250 = vector.shape_cast %swap3A_249 : vector<1x16xf32> to vector<16xf32>
        %swap3A_251 = vector.shape_cast %get3A_246 : vector<16xf32> to vector<1x16xf32>
        tpu.vector_store %arg9[%swap3A_247, %swap3A_248], %swap3A_251 {add = true, strides = array<i32>} : memref<200x64xf32, #tpu.memory_space<vmem>>, vector<1x16xf32>,
        %get3A_252 = arith.index_cast %add3A_224 : i32 to index
        %get3A_253 = arith.constant 48 : index
        %get3A_254 = tpu.vector_load %arg6[%get3A_252, %get3A_253] {strides = array<i32>} : memref<200x64xf32, #tpu.memory_space<vmem>>, vector<1x16xf32>,
        %get3A_255 = vector.shape_cast %get3A_254 : vector<1x16xf32> to vector<16xf32>
        %swap3A_256 = arith.index_cast %add3A_224 : i32 to index
        %swap3A_257 = arith.constant 48 : index
        %swap3A_258 = tpu.vector_load %arg9[%swap3A_256, %swap3A_257] {strides = array<i32>} : memref<200x64xf32, #tpu.memory_space<vmem>>, vector<1x16xf32>,
        %swap3A_259 = vector.shape_cast %swap3A_258 : vector<1x16xf32> to vector<16xf32>
        %swap3A_260 = vector.shape_cast %get3A_255 : vector<16xf32> to vector<1x16xf32>
        tpu.vector_store %arg9[%swap3A_256, %swap3A_257], %swap3A_260 {add = true, strides = array<i32>} : memref<200x64xf32, #tpu.memory_space<vmem>>, vector<1x16xf32>,
        %mul3A_261 = arith.constant 4 : i32
        %mul3A_262 = arith.muli %scan3A_182, %mul3A_261 : i32
        %add3A_263 = arith.constant 2 : i32
        %add3A_264 = arith.addi %mul3A_262, %add3A_263 : i32
        %get3A_265 = arith.index_cast %add3A_264 : i32 to index
        %get3A_266 = arith.constant 0 : index
        %get3A_267 = tpu.vector_load %arg6[%get3A_265, %get3A_266] {strides = array<i32>} : memref<200x64xf32, #tpu.memory_space<vmem>>, vector<1x16xf32>,
        %get3A_268 = vector.shape_cast %get3A_267 : vector<1x16xf32> to vector<16xf32>
        %swap3A_269 = arith.index_cast %add3A_264 : i32 to index
        %swap3A_270 = arith.constant 0 : index
        %swap3A_271 = tpu.vector_load %arg9[%swap3A_269, %swap3A_270] {strides = array<i32>} : memref<200x64xf32, #tpu.memory_space<vmem>>, vector<1x16xf32>,
        %swap3A_272 = vector.shape_cast %swap3A_271 : vector<1x16xf32> to vector<16xf32>
        %swap3A_273 = vector.shape_cast %get3A_268 : vector<16xf32> to vector<1x16xf32>
        tpu.vector_store %arg9[%swap3A_269, %swap3A_270], %swap3A_273 {add = true, strides = array<i32>} : memref<200x64xf32, #tpu.memory_space<vmem>>, vector<1x16xf32>,
        %get3A_274 = arith.index_cast %add3A_264 : i32 to index
        %get3A_275 = arith.constant 16 : index
        %get3A_276 = tpu.vector_load %arg6[%get3A_274, %get3A_275] {strides = array<i32>} : memref<200x64xf32, #tpu.memory_space<vmem>>, vector<1x16xf32>,
        %get3A_277 = vector.shape_cast %get3A_276 : vector<1x16xf32> to vector<16xf32>
        %swap3A_278 = arith.index_cast %add3A_264 : i32 to index
        %swap3A_279 = arith.constant 16 : index
        %swap3A_280 = tpu.vector_load %arg9[%swap3A_278, %swap3A_279] {strides = array<i32>} : memref<200x64xf32, #tpu.memory_space<vmem>>, vector<1x16xf32>,
        %swap3A_281 = vector.shape_cast %swap3A_280 : vector<1x16xf32> to vector<16xf32>
        %swap3A_282 = vector.shape_cast %get3A_277 : vector<16xf32> to vector<1x16xf32>
        tpu.vector_store %arg9[%swap3A_278, %swap3A_279], %swap3A_282 {add = true, strides = array<i32>} : memref<200x64xf32, #tpu.memory_space<vmem>>, vector<1x16xf32>,
        %get3A_283 = arith.index_cast %add3A_264 : i32 to index
        %get3A_284 = arith.constant 32 : index
        %get3A_285 = tpu.vector_load %arg6[%get3A_283, %get3A_284] {strides = array<i32>} : memref<200x64xf32, #tpu.memory_space<vmem>>, vector<1x16xf32>,
        %get3A_286 = vector.shape_cast %get3A_285 : vector<1x16xf32> to vector<16xf32>
        %swap3A_287 = arith.index_cast %add3A_264 : i32 to index
        %swap3A_288 = arith.constant 32 : index
        %swap3A_289 = tpu.vector_load %arg9[%swap3A_287, %swap3A_288] {strides = array<i32>} : memref<200x64xf32, #tpu.memory_space<vmem>>, vector<1x16xf32>,
        %swap3A_290 = vector.shape_cast %swap3A_289 : vector<1x16xf32> to vector<16xf32>
        %swap3A_291 = vector.shape_cast %get3A_286 : vector<16xf32> to vector<1x16xf32>
        tpu.vector_store %arg9[%swap3A_287, %swap3A_288], %swap3A_291 {add = true, strides = array<i32>} : memref<200x64xf32, #tpu.memory_space<vmem>>, vector<1x16xf32>,
        %get3A_292 = arith.index_cast %add3A_264 : i32 to index
        %get3A_293 = arith.constant 48 : index
        %get3A_294 = tpu.vector_load %arg6[%get3A_292, %get3A_293] {strides = array<i32>} : memref<200x64xf32, #tpu.memory_space<vmem>>, vector<1x16xf32>,
        %get3A_295 = vector.shape_cast %get3A_294 : vector<1x16xf32> to vector<16xf32>
        %swap3A_296 = arith.index_cast %add3A_264 : i32 to index
        %swap3A_297 = arith.constant 48 : index
        %swap3A_298 = tpu.vector_load %arg9[%swap3A_296, %swap3A_297] {strides = array<i32>} : memref<200x64xf32, #tpu.memory_space<vmem>>, vector<1x16xf32>,
        %swap3A_299 = vector.shape_cast %swap3A_298 : vector<1x16xf32> to vector<16xf32>
        %swap3A_300 = vector.shape_cast %get3A_295 : vector<16xf32> to vector<1x16xf32>
        tpu.vector_store %arg9[%swap3A_296, %swap3A_297], %swap3A_300 {add = true, strides = array<i32>} : memref<200x64xf32, #tpu.memory_space<vmem>>, vector<1x16xf32>,
        %mul3A_301 = arith.constant 4 : i32
        %mul3A_302 = arith.muli %scan3A_182, %mul3A_301 : i32
        %add3A_303 = arith.constant 3 : i32
        %add3A_304 = arith.addi %mul3A_302, %add3A_303 : i32
        %get3A_305 = arith.index_cast %add3A_304 : i32 to index
        %get3A_306 = arith.constant 0 : index
        %get3A_307 = tpu.vector_load %arg6[%get3A_305, %get3A_306] {strides = array<i32>} : memref<200x64xf32, #tpu.memory_space<vmem>>, vector<1x16xf32>,
        %get3A_308 = vector.shape_cast %get3A_307 : vector<1x16xf32> to vector<16xf32>
        %swap3A_309 = arith.index_cast %add3A_304 : i32 to index
        %swap3A_310 = arith.constant 0 : index
        %swap3A_311 = tpu.vector_load %arg9[%swap3A_309, %swap3A_310] {strides = array<i32>} : memref<200x64xf32, #tpu.memory_space<vmem>>, vector<1x16xf32>,
        %swap3A_312 = vector.shape_cast %swap3A_311 : vector<1x16xf32> to vector<16xf32>
        %swap3A_313 = vector.shape_cast %get3A_308 : vector<16xf32> to vector<1x16xf32>
        tpu.vector_store %arg9[%swap3A_309, %swap3A_310], %swap3A_313 {add = true, strides = array<i32>} : memref<200x64xf32, #tpu.memory_space<vmem>>, vector<1x16xf32>,
        %get3A_314 = arith.index_cast %add3A_304 : i32 to index
        %get3A_315 = arith.constant 16 : index
        %get3A_316 = tpu.vector_load %arg6[%get3A_314, %get3A_315] {strides = array<i32>} : memref<200x64xf32, #tpu.memory_space<vmem>>, vector<1x16xf32>,
        %get3A_317 = vector.shape_cast %get3A_316 : vector<1x16xf32> to vector<16xf32>
        %swap3A_318 = arith.index_cast %add3A_304 : i32 to index
        %swap3A_319 = arith.constant 16 : index
        %swap3A_320 = tpu.vector_load %arg9[%swap3A_318, %swap3A_319] {strides = array<i32>} : memref<200x64xf32, #tpu.memory_space<vmem>>, vector<1x16xf32>,
        %swap3A_321 = vector.shape_cast %swap3A_320 : vector<1x16xf32> to vector<16xf32>
        %swap3A_322 = vector.shape_cast %get3A_317 : vector<16xf32> to vector<1x16xf32>
        tpu.vector_store %arg9[%swap3A_318, %swap3A_319], %swap3A_322 {add = true, strides = array<i32>} : memref<200x64xf32, #tpu.memory_space<vmem>>, vector<1x16xf32>,
        %get3A_323 = arith.index_cast %add3A_304 : i32 to index
        %get3A_324 = arith.constant 32 : index
        %get3A_325 = tpu.vector_load %arg6[%get3A_323, %get3A_324] {strides = array<i32>} : memref<200x64xf32, #tpu.memory_space<vmem>>, vector<1x16xf32>,
        %get3A_326 = vector.shape_cast %get3A_325 : vector<1x16xf32> to vector<16xf32>
        %swap3A_327 = arith.index_cast %add3A_304 : i32 to index
        %swap3A_328 = arith.constant 32 : index
        %swap3A_329 = tpu.vector_load %arg9[%swap3A_327, %swap3A_328] {strides = array<i32>} : memref<200x64xf32, #tpu.memory_space<vmem>>, vector<1x16xf32>,
        %swap3A_330 = vector.shape_cast %swap3A_329 : vector<1x16xf32> to vector<16xf32>
        %swap3A_331 = vector.shape_cast %get3A_326 : vector<16xf32> to vector<1x16xf32>
        tpu.vector_store %arg9[%swap3A_327, %swap3A_328], %swap3A_331 {add = true, strides = array<i32>} : memref<200x64xf32, #tpu.memory_space<vmem>>, vector<1x16xf32>,
        %get3A_332 = arith.index_cast %add3A_304 : i32 to index
        %get3A_333 = arith.constant 48 : index
        %get3A_334 = tpu.vector_load %arg6[%get3A_332, %get3A_333] {strides = array<i32>} : memref<200x64xf32, #tpu.memory_space<vmem>>, vector<1x16xf32>,
        %get3A_335 = vector.shape_cast %get3A_334 : vector<1x16xf32> to vector<16xf32>
        %swap3A_336 = arith.index_cast %add3A_304 : i32 to index
        %swap3A_337 = arith.constant 48 : index
        %swap3A_338 = tpu.vector_load %arg9[%swap3A_336, %swap3A_337] {strides = array<i32>} : memref<200x64xf32, #tpu.memory_space<vmem>>, vector<1x16xf32>,
        %swap3A_339 = vector.shape_cast %swap3A_338 : vector<1x16xf32> to vector<16xf32>
        %swap3A_340 = vector.shape_cast %get3A_335 : vector<16xf32> to vector<1x16xf32>
        tpu.vector_store %arg9[%swap3A_336, %swap3A_337], %swap3A_340 {add = true, strides = array<i32>} : memref<200x64xf32, #tpu.memory_space<vmem>>, vector<1x16xf32>,
      }
      %scan3A_80 = arith.constant 50 : i32
      %mul3A_81 = arith.constant 128 : i32
      %mul3A_82 = arith.muli %add3A, %mul3A_81 : i32
      %add3A_83 = arith.addi %mul3A_82, %add3A_69 : i32
      %dma_start3A_84 = arith.constant 0 : i32
      %dma_start3A_85 = arith.constant 0 : i32
      %dma_start3A_86 = tpu.memref_slice %arg5[%add3A_83, %dma_start3A_84, %dma_start3A_85] : memref<4096x200x64xf32, #tpu.memory_space<hbm>> -> memref<1x200x64xf32, #tpu.memory_space<hbm>>
      %dma_start3A_87 = tpu.memref_squeeze %dma_start3A_86 : memref<1x200x64xf32, #tpu.memory_space<hbm>> -> memref<200x64xf32, #tpu.memory_space<hbm>>
      %dma_start3A_88 = arith.constant 0 : i32
      %dma_start3A_89 = arith.constant 0 : i32
      %dma_start3A_90 = tpu.memref_slice %arg5[%add3A_83, %dma_start3A_88, %dma_start3A_89] : memref<4096x200x64xf32, #tpu.memory_space<hbm>> -> memref<1x200x64xf32, #tpu.memory_space<hbm>>
      %dma_start3A_91 = tpu.memref_squeeze %dma_start3A_90 : memref<1x200x64xf32, #tpu.memory_space<hbm>> -> memref<200x64xf32, #tpu.memory_space<hbm>>
      tpu.enqueue_dma source(%arg9 : memref<200x64xf32, #tpu.memory_space<vmem>>) target(%dma_start3A_91 : memref<200x64xf32, #tpu.memory_space<hbm>>) target_semaphore(%arg17 : memref<!tpu.dma_semaphore, #tpu.memory_space<semaphore_mem>>)
      %ge3A_92 = arith.constant 1 : i32
      %ge3A_93 = arith.cmpi sge, %add3A_69, %ge3A_92 : i32
      %convert_element_type3A_94 = arith.extui %ge3A_93 : i1 to i32
      %cond3A_95 = arith.constant 0 : i32
      %cond3A_96 = arith.cmpi ne, %convert_element_type3A_94, %cond3A_95 : i32
      scf.if %cond3A_96 {
        %dma_wait3A_182 = arith.constant 0 : i32
        %dma_wait3A_183 = arith.constant 0 : i32
        %dma_wait3A_184 = arith.constant 0 : i32
        %dma_wait3A_185 = tpu.memref_slice %arg5[%dma_wait3A_182, %dma_wait3A_183, %dma_wait3A_184] : memref<4096x200x64xf32, #tpu.memory_space<hbm>> -> memref<1x200x64xf32, #tpu.memory_space<hbm>>
        %dma_wait3A_186 = tpu.memref_squeeze %dma_wait3A_185 : memref<1x200x64xf32, #tpu.memory_space<hbm>> -> memref<200x64xf32, #tpu.memory_space<hbm>>
        %dma_wait3A_187 = arith.constant 0 : i32
        %dma_wait3A_188 = arith.constant 0 : i32
        %dma_wait3A_189 = tpu.memref_slice %arg5[%dma_wait3A_182, %dma_wait3A_187, %dma_wait3A_188] : memref<4096x200x64xf32, #tpu.memory_space<hbm>> -> memref<1x200x64xf32, #tpu.memory_space<hbm>>
        %dma_wait3A_190 = tpu.memref_squeeze %dma_wait3A_189 : memref<1x200x64xf32, #tpu.memory_space<hbm>> -> memref<200x64xf32, #tpu.memory_space<hbm>>
        tpu.wait_dma2 semaphore(%arg16 : memref<!tpu.dma_semaphore, #tpu.memory_space<semaphore_mem>>) src(%arg8 : memref<200x64xf32, #tpu.memory_space<vmem>>) dst(%dma_wait3A_190 : memref<200x64xf32, #tpu.memory_space<hbm>>)
      } else {
      }
      %add3A_97 = arith.constant 4 : i32
      %add3A_98 = arith.addi %add3A_69, %add3A_97 : i32
      %sub3A_99 = arith.constant 1 : i32
      %sub3A_100 = arith.subi %add3A_98, %sub3A_99 : i32
      %lt3A_101 = arith.constant 128 : i32
      %lt3A_102 = arith.cmpi slt, %sub3A_100, %lt3A_101 : i32
      %convert_element_type3A_103 = arith.extui %lt3A_102 : i1 to i32
      %cond3A_104 = arith.constant 0 : i32
      %cond3A_105 = arith.cmpi ne, %convert_element_type3A_103, %cond3A_104 : i32
      scf.if %cond3A_105 {
        %add3A_182 = arith.constant 4 : i32
        %add3A_183 = arith.addi %add3A_69, %add3A_182 : i32
        %sub3A_184 = arith.constant 1 : i32
        %sub3A_185 = arith.subi %add3A_183, %sub3A_184 : i32
        %mul3A_186 = arith.constant 200 : i32
        %mul3A_187 = arith.muli %sub3A_185, %mul3A_186 : i32
        %multiple_of3A_188 = tpu.assume_multiple %mul3A_187, 8 : i32
        %dma_start3A_189 = tpu.memref_slice %arg7[%multiple_of3A_188] : memref<25600xi32, #tpu.memory_space<vmem>> -> memref<200xi32, #tpu.memory_space<vmem>>
        %dma_start3A_190 = arith.constant 0 : i32
        %dma_start3A_191 = arith.constant 0 : i32
        %dma_start3A_192 = tpu.memref_slice %arg3[%dma_start3A_190, %dma_start3A_191] : memref<1000000x64xf32, #tpu.memory_space<hbm>> -> memref<1000000x64xf32, #tpu.memory_space<hbm>>
        tpu.enqueue_indirect_dma source(%dma_start3A_192 : memref<1000000x64xf32, #tpu.memory_space<hbm>>) target(%arg8 : memref<200x64xf32, #tpu.memory_space<vmem>>) offsets(%dma_start3A_189 : memref<200xi32, #tpu.memory_space<vmem>>) semaphore(%arg12 : memref<!tpu.dma_semaphore, #tpu.memory_space<semaphore_mem>>)
      } else {
      }
      %add3A_106 = arith.constant 2 : i32
      %add3A_107 = arith.addi %mul3A_34, %add3A_106 : i32
      %dma_wait3A_108 = arith.constant 0 : i32
      %dma_wait3A_109 = tpu.memref_slice %arg7[%dma_wait3A_108] : memref<25600xi32, #tpu.memory_space<vmem>> -> memref<200xi32, #tpu.memory_space<vmem>>
      %dma_wait3A_110 = arith.constant 0 : i32
      %dma_wait3A_111 = arith.constant 0 : i32
      %dma_wait3A_112 = tpu.memref_slice %arg3[%dma_wait3A_110, %dma_wait3A_111] : memref<1000000x64xf32, #tpu.memory_space<hbm>> -> memref<1000000x64xf32, #tpu.memory_space<hbm>>
      tpu.wait_indirect_dma semaphore(%arg14 : memref<!tpu.dma_semaphore, #tpu.memory_space<semaphore_mem>>) src(%dma_wait3A_112 : memref<1000000x64xf32, #tpu.memory_space<hbm>>) dst(%arg10 : memref<200x64xf32, #tpu.memory_space<vmem>>)
      %scan3A_113 = arith.constant 0 : i32
      %scan3A_114 = arith.constant 0 : i32
      %scan3A_115 = arith.constant 50 : i32
      %scan3A_116 = arith.addi %scan3A_114, %scan3A_115 : i32
      %scan3A_117 = arith.constant 1 : i32
      scf.for %scan3A_182 = %scan3A_114 to %scan3A_116 step %scan3A_117  : i32 {
        %mul3A_183 = arith.constant 4 : i32
        %mul3A_184 = arith.muli %scan3A_182, %mul3A_183 : i32
        %add3A_185 = arith.constant 0 : i32
        %add3A_186 = arith.addi %mul3A_184, %add3A_185 : i32
        %get3A = arith.index_cast %add3A_186 : i32 to index
        %get3A_187 = arith.constant 0 : index
        %get3A_188 = tpu.vector_load %arg6[%get3A, %get3A_187] {strides = array<i32>} : memref<200x64xf32, #tpu.memory_space<vmem>>, vector<1x16xf32>,
        %get3A_189 = vector.shape_cast %get3A_188 : vector<1x16xf32> to vector<16xf32>
        %swap3A = arith.index_cast %add3A_186 : i32 to index
        %swap3A_190 = arith.constant 0 : index
        %swap3A_191 = tpu.vector_load %arg10[%swap3A, %swap3A_190] {strides = array<i32>} : memref<200x64xf32, #tpu.memory_space<vmem>>, vector<1x16xf32>,
        %swap3A_192 = vector.shape_cast %swap3A_191 : vector<1x16xf32> to vector<16xf32>
        %swap3A_193 = vector.shape_cast %get3A_189 : vector<16xf32> to vector<1x16xf32>
        tpu.vector_store %arg10[%swap3A, %swap3A_190], %swap3A_193 {add = true, strides = array<i32>} : memref<200x64xf32, #tpu.memory_space<vmem>>, vector<1x16xf32>,
        %get3A_194 = arith.index_cast %add3A_186 : i32 to index
        %get3A_195 = arith.constant 16 : index
        %get3A_196 = tpu.vector_load %arg6[%get3A_194, %get3A_195] {strides = array<i32>} : memref<200x64xf32, #tpu.memory_space<vmem>>, vector<1x16xf32>,
        %get3A_197 = vector.shape_cast %get3A_196 : vector<1x16xf32> to vector<16xf32>
        %swap3A_198 = arith.index_cast %add3A_186 : i32 to index
        %swap3A_199 = arith.constant 16 : index
        %swap3A_200 = tpu.vector_load %arg10[%swap3A_198, %swap3A_199] {strides = array<i32>} : memref<200x64xf32, #tpu.memory_space<vmem>>, vector<1x16xf32>,
        %swap3A_201 = vector.shape_cast %swap3A_200 : vector<1x16xf32> to vector<16xf32>
        %swap3A_202 = vector.shape_cast %get3A_197 : vector<16xf32> to vector<1x16xf32>
        tpu.vector_store %arg10[%swap3A_198, %swap3A_199], %swap3A_202 {add = true, strides = array<i32>} : memref<200x64xf32, #tpu.memory_space<vmem>>, vector<1x16xf32>,
        %get3A_203 = arith.index_cast %add3A_186 : i32 to index
        %get3A_204 = arith.constant 32 : index
        %get3A_205 = tpu.vector_load %arg6[%get3A_203, %get3A_204] {strides = array<i32>} : memref<200x64xf32, #tpu.memory_space<vmem>>, vector<1x16xf32>,
        %get3A_206 = vector.shape_cast %get3A_205 : vector<1x16xf32> to vector<16xf32>
        %swap3A_207 = arith.index_cast %add3A_186 : i32 to index
        %swap3A_208 = arith.constant 32 : index
        %swap3A_209 = tpu.vector_load %arg10[%swap3A_207, %swap3A_208] {strides = array<i32>} : memref<200x64xf32, #tpu.memory_space<vmem>>, vector<1x16xf32>,
        %swap3A_210 = vector.shape_cast %swap3A_209 : vector<1x16xf32> to vector<16xf32>
        %swap3A_211 = vector.shape_cast %get3A_206 : vector<16xf32> to vector<1x16xf32>
        tpu.vector_store %arg10[%swap3A_207, %swap3A_208], %swap3A_211 {add = true, strides = array<i32>} : memref<200x64xf32, #tpu.memory_space<vmem>>, vector<1x16xf32>,
        %get3A_212 = arith.index_cast %add3A_186 : i32 to index
        %get3A_213 = arith.constant 48 : index
        %get3A_214 = tpu.vector_load %arg6[%get3A_212, %get3A_213] {strides = array<i32>} : memref<200x64xf32, #tpu.memory_space<vmem>>, vector<1x16xf32>,
        %get3A_215 = vector.shape_cast %get3A_214 : vector<1x16xf32> to vector<16xf32>
        %swap3A_216 = arith.index_cast %add3A_186 : i32 to index
        %swap3A_217 = arith.constant 48 : index
        %swap3A_218 = tpu.vector_load %arg10[%swap3A_216, %swap3A_217] {strides = array<i32>} : memref<200x64xf32, #tpu.memory_space<vmem>>, vector<1x16xf32>,
        %swap3A_219 = vector.shape_cast %swap3A_218 : vector<1x16xf32> to vector<16xf32>
        %swap3A_220 = vector.shape_cast %get3A_215 : vector<16xf32> to vector<1x16xf32>
        tpu.vector_store %arg10[%swap3A_216, %swap3A_217], %swap3A_220 {add = true, strides = array<i32>} : memref<200x64xf32, #tpu.memory_space<vmem>>, vector<1x16xf32>,
        %mul3A_221 = arith.constant 4 : i32
        %mul3A_222 = arith.muli %scan3A_182, %mul3A_221 : i32
        %add3A_223 = arith.constant 1 : i32
        %add3A_224 = arith.addi %mul3A_222, %add3A_223 : i32
        %get3A_225 = arith.index_cast %add3A_224 : i32 to index
        %get3A_226 = arith.constant 0 : index
        %get3A_227 = tpu.vector_load %arg6[%get3A_225, %get3A_226] {strides = array<i32>} : memref<200x64xf32, #tpu.memory_space<vmem>>, vector<1x16xf32>,
        %get3A_228 = vector.shape_cast %get3A_227 : vector<1x16xf32> to vector<16xf32>
        %swap3A_229 = arith.index_cast %add3A_224 : i32 to index
        %swap3A_230 = arith.constant 0 : index
        %swap3A_231 = tpu.vector_load %arg10[%swap3A_229, %swap3A_230] {strides = array<i32>} : memref<200x64xf32, #tpu.memory_space<vmem>>, vector<1x16xf32>,
        %swap3A_232 = vector.shape_cast %swap3A_231 : vector<1x16xf32> to vector<16xf32>
        %swap3A_233 = vector.shape_cast %get3A_228 : vector<16xf32> to vector<1x16xf32>
        tpu.vector_store %arg10[%swap3A_229, %swap3A_230], %swap3A_233 {add = true, strides = array<i32>} : memref<200x64xf32, #tpu.memory_space<vmem>>, vector<1x16xf32>,
        %get3A_234 = arith.index_cast %add3A_224 : i32 to index
        %get3A_235 = arith.constant 16 : index
        %get3A_236 = tpu.vector_load %arg6[%get3A_234, %get3A_235] {strides = array<i32>} : memref<200x64xf32, #tpu.memory_space<vmem>>, vector<1x16xf32>,
        %get3A_237 = vector.shape_cast %get3A_236 : vector<1x16xf32> to vector<16xf32>
        %swap3A_238 = arith.index_cast %add3A_224 : i32 to index
        %swap3A_239 = arith.constant 16 : index
        %swap3A_240 = tpu.vector_load %arg10[%swap3A_238, %swap3A_239] {strides = array<i32>} : memref<200x64xf32, #tpu.memory_space<vmem>>, vector<1x16xf32>,
        %swap3A_241 = vector.shape_cast %swap3A_240 : vector<1x16xf32> to vector<16xf32>
        %swap3A_242 = vector.shape_cast %get3A_237 : vector<16xf32> to vector<1x16xf32>
        tpu.vector_store %arg10[%swap3A_238, %swap3A_239], %swap3A_242 {add = true, strides = array<i32>} : memref<200x64xf32, #tpu.memory_space<vmem>>, vector<1x16xf32>,
        %get3A_243 = arith.index_cast %add3A_224 : i32 to index
        %get3A_244 = arith.constant 32 : index
        %get3A_245 = tpu.vector_load %arg6[%get3A_243, %get3A_244] {strides = array<i32>} : memref<200x64xf32, #tpu.memory_space<vmem>>, vector<1x16xf32>,
        %get3A_246 = vector.shape_cast %get3A_245 : vector<1x16xf32> to vector<16xf32>
        %swap3A_247 = arith.index_cast %add3A_224 : i32 to index
        %swap3A_248 = arith.constant 32 : index
        %swap3A_249 = tpu.vector_load %arg10[%swap3A_247, %swap3A_248] {strides = array<i32>} : memref<200x64xf32, #tpu.memory_space<vmem>>, vector<1x16xf32>,
        %swap3A_250 = vector.shape_cast %swap3A_249 : vector<1x16xf32> to vector<16xf32>
        %swap3A_251 = vector.shape_cast %get3A_246 : vector<16xf32> to vector<1x16xf32>
        tpu.vector_store %arg10[%swap3A_247, %swap3A_248], %swap3A_251 {add = true, strides = array<i32>} : memref<200x64xf32, #tpu.memory_space<vmem>>, vector<1x16xf32>,
        %get3A_252 = arith.index_cast %add3A_224 : i32 to index
        %get3A_253 = arith.constant 48 : index
        %get3A_254 = tpu.vector_load %arg6[%get3A_252, %get3A_253] {strides = array<i32>} : memref<200x64xf32, #tpu.memory_space<vmem>>, vector<1x16xf32>,
        %get3A_255 = vector.shape_cast %get3A_254 : vector<1x16xf32> to vector<16xf32>
        %swap3A_256 = arith.index_cast %add3A_224 : i32 to index
        %swap3A_257 = arith.constant 48 : index
        %swap3A_258 = tpu.vector_load %arg10[%swap3A_256, %swap3A_257] {strides = array<i32>} : memref<200x64xf32, #tpu.memory_space<vmem>>, vector<1x16xf32>,
        %swap3A_259 = vector.shape_cast %swap3A_258 : vector<1x16xf32> to vector<16xf32>
        %swap3A_260 = vector.shape_cast %get3A_255 : vector<16xf32> to vector<1x16xf32>
        tpu.vector_store %arg10[%swap3A_256, %swap3A_257], %swap3A_260 {add = true, strides = array<i32>} : memref<200x64xf32, #tpu.memory_space<vmem>>, vector<1x16xf32>,
        %mul3A_261 = arith.constant 4 : i32
        %mul3A_262 = arith.muli %scan3A_182, %mul3A_261 : i32
        %add3A_263 = arith.constant 2 : i32
        %add3A_264 = arith.addi %mul3A_262, %add3A_263 : i32
        %get3A_265 = arith.index_cast %add3A_264 : i32 to index
        %get3A_266 = arith.constant 0 : index
        %get3A_267 = tpu.vector_load %arg6[%get3A_265, %get3A_266] {strides = array<i32>} : memref<200x64xf32, #tpu.memory_space<vmem>>, vector<1x16xf32>,
        %get3A_268 = vector.shape_cast %get3A_267 : vector<1x16xf32> to vector<16xf32>
        %swap3A_269 = arith.index_cast %add3A_264 : i32 to index
        %swap3A_270 = arith.constant 0 : index
        %swap3A_271 = tpu.vector_load %arg10[%swap3A_269, %swap3A_270] {strides = array<i32>} : memref<200x64xf32, #tpu.memory_space<vmem>>, vector<1x16xf32>,
        %swap3A_272 = vector.shape_cast %swap3A_271 : vector<1x16xf32> to vector<16xf32>
        %swap3A_273 = vector.shape_cast %get3A_268 : vector<16xf32> to vector<1x16xf32>
        tpu.vector_store %arg10[%swap3A_269, %swap3A_270], %swap3A_273 {add = true, strides = array<i32>} : memref<200x64xf32, #tpu.memory_space<vmem>>, vector<1x16xf32>,
        %get3A_274 = arith.index_cast %add3A_264 : i32 to index
        %get3A_275 = arith.constant 16 : index
        %get3A_276 = tpu.vector_load %arg6[%get3A_274, %get3A_275] {strides = array<i32>} : memref<200x64xf32, #tpu.memory_space<vmem>>, vector<1x16xf32>,
        %get3A_277 = vector.shape_cast %get3A_276 : vector<1x16xf32> to vector<16xf32>
        %swap3A_278 = arith.index_cast %add3A_264 : i32 to index
        %swap3A_279 = arith.constant 16 : index
        %swap3A_280 = tpu.vector_load %arg10[%swap3A_278, %swap3A_279] {strides = array<i32>} : memref<200x64xf32, #tpu.memory_space<vmem>>, vector<1x16xf32>,
        %swap3A_281 = vector.shape_cast %swap3A_280 : vector<1x16xf32> to vector<16xf32>
        %swap3A_282 = vector.shape_cast %get3A_277 : vector<16xf32> to vector<1x16xf32>
        tpu.vector_store %arg10[%swap3A_278, %swap3A_279], %swap3A_282 {add = true, strides = array<i32>} : memref<200x64xf32, #tpu.memory_space<vmem>>, vector<1x16xf32>,
        %get3A_283 = arith.index_cast %add3A_264 : i32 to index
        %get3A_284 = arith.constant 32 : index
        %get3A_285 = tpu.vector_load %arg6[%get3A_283, %get3A_284] {strides = array<i32>} : memref<200x64xf32, #tpu.memory_space<vmem>>, vector<1x16xf32>,
        %get3A_286 = vector.shape_cast %get3A_285 : vector<1x16xf32> to vector<16xf32>
        %swap3A_287 = arith.index_cast %add3A_264 : i32 to index
        %swap3A_288 = arith.constant 32 : index
        %swap3A_289 = tpu.vector_load %arg10[%swap3A_287, %swap3A_288] {strides = array<i32>} : memref<200x64xf32, #tpu.memory_space<vmem>>, vector<1x16xf32>,
        %swap3A_290 = vector.shape_cast %swap3A_289 : vector<1x16xf32> to vector<16xf32>
        %swap3A_291 = vector.shape_cast %get3A_286 : vector<16xf32> to vector<1x16xf32>
        tpu.vector_store %arg10[%swap3A_287, %swap3A_288], %swap3A_291 {add = true, strides = array<i32>} : memref<200x64xf32, #tpu.memory_space<vmem>>, vector<1x16xf32>,
        %get3A_292 = arith.index_cast %add3A_264 : i32 to index
        %get3A_293 = arith.constant 48 : index
        %get3A_294 = tpu.vector_load %arg6[%get3A_292, %get3A_293] {strides = array<i32>} : memref<200x64xf32, #tpu.memory_space<vmem>>, vector<1x16xf32>,
        %get3A_295 = vector.shape_cast %get3A_294 : vector<1x16xf32> to vector<16xf32>
        %swap3A_296 = arith.index_cast %add3A_264 : i32 to index
        %swap3A_297 = arith.constant 48 : index
        %swap3A_298 = tpu.vector_load %arg10[%swap3A_296, %swap3A_297] {strides = array<i32>} : memref<200x64xf32, #tpu.memory_space<vmem>>, vector<1x16xf32>,
        %swap3A_299 = vector.shape_cast %swap3A_298 : vector<1x16xf32> to vector<16xf32>
        %swap3A_300 = vector.shape_cast %get3A_295 : vector<16xf32> to vector<1x16xf32>
        tpu.vector_store %arg10[%swap3A_296, %swap3A_297], %swap3A_300 {add = true, strides = array<i32>} : memref<200x64xf32, #tpu.memory_space<vmem>>, vector<1x16xf32>,
        %mul3A_301 = arith.constant 4 : i32
        %mul3A_302 = arith.muli %scan3A_182, %mul3A_301 : i32
        %add3A_303 = arith.constant 3 : i32
        %add3A_304 = arith.addi %mul3A_302, %add3A_303 : i32
        %get3A_305 = arith.index_cast %add3A_304 : i32 to index
        %get3A_306 = arith.constant 0 : index
        %get3A_307 = tpu.vector_load %arg6[%get3A_305, %get3A_306] {strides = array<i32>} : memref<200x64xf32, #tpu.memory_space<vmem>>, vector<1x16xf32>,
        %get3A_308 = vector.shape_cast %get3A_307 : vector<1x16xf32> to vector<16xf32>
        %swap3A_309 = arith.index_cast %add3A_304 : i32 to index
        %swap3A_310 = arith.constant 0 : index
        %swap3A_311 = tpu.vector_load %arg10[%swap3A_309, %swap3A_310] {strides = array<i32>} : memref<200x64xf32, #tpu.memory_space<vmem>>, vector<1x16xf32>,
        %swap3A_312 = vector.shape_cast %swap3A_311 : vector<1x16xf32> to vector<16xf32>
        %swap3A_313 = vector.shape_cast %get3A_308 : vector<16xf32> to vector<1x16xf32>
        tpu.vector_store %arg10[%swap3A_309, %swap3A_310], %swap3A_313 {add = true, strides = array<i32>} : memref<200x64xf32, #tpu.memory_space<vmem>>, vector<1x16xf32>,
        %get3A_314 = arith.index_cast %add3A_304 : i32 to index
        %get3A_315 = arith.constant 16 : index
        %get3A_316 = tpu.vector_load %arg6[%get3A_314, %get3A_315] {strides = array<i32>} : memref<200x64xf32, #tpu.memory_space<vmem>>, vector<1x16xf32>,
        %get3A_317 = vector.shape_cast %get3A_316 : vector<1x16xf32> to vector<16xf32>
        %swap3A_318 = arith.index_cast %add3A_304 : i32 to index
        %swap3A_319 = arith.constant 16 : index
        %swap3A_320 = tpu.vector_load %arg10[%swap3A_318, %swap3A_319] {strides = array<i32>} : memref<200x64xf32, #tpu.memory_space<vmem>>, vector<1x16xf32>,
        %swap3A_321 = vector.shape_cast %swap3A_320 : vector<1x16xf32> to vector<16xf32>
        %swap3A_322 = vector.shape_cast %get3A_317 : vector<16xf32> to vector<1x16xf32>
        tpu.vector_store %arg10[%swap3A_318, %swap3A_319], %swap3A_322 {add = true, strides = array<i32>} : memref<200x64xf32, #tpu.memory_space<vmem>>, vector<1x16xf32>,
        %get3A_323 = arith.index_cast %add3A_304 : i32 to index
        %get3A_324 = arith.constant 32 : index
        %get3A_325 = tpu.vector_load %arg6[%get3A_323, %get3A_324] {strides = array<i32>} : memref<200x64xf32, #tpu.memory_space<vmem>>, vector<1x16xf32>,
        %get3A_326 = vector.shape_cast %get3A_325 : vector<1x16xf32> to vector<16xf32>
        %swap3A_327 = arith.index_cast %add3A_304 : i32 to index
        %swap3A_328 = arith.constant 32 : index
        %swap3A_329 = tpu.vector_load %arg10[%swap3A_327, %swap3A_328] {strides = array<i32>} : memref<200x64xf32, #tpu.memory_space<vmem>>, vector<1x16xf32>,
        %swap3A_330 = vector.shape_cast %swap3A_329 : vector<1x16xf32> to vector<16xf32>
        %swap3A_331 = vector.shape_cast %get3A_326 : vector<16xf32> to vector<1x16xf32>
        tpu.vector_store %arg10[%swap3A_327, %swap3A_328], %swap3A_331 {add = true, strides = array<i32>} : memref<200x64xf32, #tpu.memory_space<vmem>>, vector<1x16xf32>,
        %get3A_332 = arith.index_cast %add3A_304 : i32 to index
        %get3A_333 = arith.constant 48 : index
        %get3A_334 = tpu.vector_load %arg6[%get3A_332, %get3A_333] {strides = array<i32>} : memref<200x64xf32, #tpu.memory_space<vmem>>, vector<1x16xf32>,
        %get3A_335 = vector.shape_cast %get3A_334 : vector<1x16xf32> to vector<16xf32>
        %swap3A_336 = arith.index_cast %add3A_304 : i32 to index
        %swap3A_337 = arith.constant 48 : index
        %swap3A_338 = tpu.vector_load %arg10[%swap3A_336, %swap3A_337] {strides = array<i32>} : memref<200x64xf32, #tpu.memory_space<vmem>>, vector<1x16xf32>,
        %swap3A_339 = vector.shape_cast %swap3A_338 : vector<1x16xf32> to vector<16xf32>
        %swap3A_340 = vector.shape_cast %get3A_335 : vector<16xf32> to vector<1x16xf32>
        tpu.vector_store %arg10[%swap3A_336, %swap3A_337], %swap3A_340 {add = true, strides = array<i32>} : memref<200x64xf32, #tpu.memory_space<vmem>>, vector<1x16xf32>,
      }
      %scan3A_118 = arith.constant 50 : i32
      %mul3A_119 = arith.constant 128 : i32
      %mul3A_120 = arith.muli %add3A, %mul3A_119 : i32
      %add3A_121 = arith.addi %mul3A_120, %add3A_107 : i32
      %dma_start3A_122 = arith.constant 0 : i32
      %dma_start3A_123 = arith.constant 0 : i32
      %dma_start3A_124 = tpu.memref_slice %arg5[%add3A_121, %dma_start3A_122, %dma_start3A_123] : memref<4096x200x64xf32, #tpu.memory_space<hbm>> -> memref<1x200x64xf32, #tpu.memory_space<hbm>>
      %dma_start3A_125 = tpu.memref_squeeze %dma_start3A_124 : memref<1x200x64xf32, #tpu.memory_space<hbm>> -> memref<200x64xf32, #tpu.memory_space<hbm>>
      %dma_start3A_126 = arith.constant 0 : i32
      %dma_start3A_127 = arith.constant 0 : i32
      %dma_start3A_128 = tpu.memref_slice %arg5[%add3A_121, %dma_start3A_126, %dma_start3A_127] : memref<4096x200x64xf32, #tpu.memory_space<hbm>> -> memref<1x200x64xf32, #tpu.memory_space<hbm>>
      %dma_start3A_129 = tpu.memref_squeeze %dma_start3A_128 : memref<1x200x64xf32, #tpu.memory_space<hbm>> -> memref<200x64xf32, #tpu.memory_space<hbm>>
      tpu.enqueue_dma source(%arg10 : memref<200x64xf32, #tpu.memory_space<vmem>>) target(%dma_start3A_129 : memref<200x64xf32, #tpu.memory_space<hbm>>) target_semaphore(%arg18 : memref<!tpu.dma_semaphore, #tpu.memory_space<semaphore_mem>>)
      %ge3A_130 = arith.constant 1 : i32
      %ge3A_131 = arith.cmpi sge, %add3A_107, %ge3A_130 : i32
      %convert_element_type3A_132 = arith.extui %ge3A_131 : i1 to i32
      %cond3A_133 = arith.constant 0 : i32
      %cond3A_134 = arith.cmpi ne, %convert_element_type3A_132, %cond3A_133 : i32
      scf.if %cond3A_134 {
        %dma_wait3A_182 = arith.constant 0 : i32
        %dma_wait3A_183 = arith.constant 0 : i32
        %dma_wait3A_184 = arith.constant 0 : i32
        %dma_wait3A_185 = tpu.memref_slice %arg5[%dma_wait3A_182, %dma_wait3A_183, %dma_wait3A_184] : memref<4096x200x64xf32, #tpu.memory_space<hbm>> -> memref<1x200x64xf32, #tpu.memory_space<hbm>>
        %dma_wait3A_186 = tpu.memref_squeeze %dma_wait3A_185 : memref<1x200x64xf32, #tpu.memory_space<hbm>> -> memref<200x64xf32, #tpu.memory_space<hbm>>
        %dma_wait3A_187 = arith.constant 0 : i32
        %dma_wait3A_188 = arith.constant 0 : i32
        %dma_wait3A_189 = tpu.memref_slice %arg5[%dma_wait3A_182, %dma_wait3A_187, %dma_wait3A_188] : memref<4096x200x64xf32, #tpu.memory_space<hbm>> -> memref<1x200x64xf32, #tpu.memory_space<hbm>>
        %dma_wait3A_190 = tpu.memref_squeeze %dma_wait3A_189 : memref<1x200x64xf32, #tpu.memory_space<hbm>> -> memref<200x64xf32, #tpu.memory_space<hbm>>
        tpu.wait_dma2 semaphore(%arg17 : memref<!tpu.dma_semaphore, #tpu.memory_space<semaphore_mem>>) src(%arg9 : memref<200x64xf32, #tpu.memory_space<vmem>>) dst(%dma_wait3A_190 : memref<200x64xf32, #tpu.memory_space<hbm>>)
      } else {
      }
      %add3A_135 = arith.constant 4 : i32
      %add3A_136 = arith.addi %add3A_107, %add3A_135 : i32
      %sub3A_137 = arith.constant 1 : i32
      %sub3A_138 = arith.subi %add3A_136, %sub3A_137 : i32
      %lt3A_139 = arith.constant 128 : i32
      %lt3A_140 = arith.cmpi slt, %sub3A_138, %lt3A_139 : i32
      %convert_element_type3A_141 = arith.extui %lt3A_140 : i1 to i32
      %cond3A_142 = arith.constant 0 : i32
      %cond3A_143 = arith.cmpi ne, %convert_element_type3A_141, %cond3A_142 : i32
      scf.if %cond3A_143 {
        %add3A_182 = arith.constant 4 : i32
        %add3A_183 = arith.addi %add3A_107, %add3A_182 : i32
        %sub3A_184 = arith.constant 1 : i32
        %sub3A_185 = arith.subi %add3A_183, %sub3A_184 : i32
        %mul3A_186 = arith.constant 200 : i32
        %mul3A_187 = arith.muli %sub3A_185, %mul3A_186 : i32
        %multiple_of3A_188 = tpu.assume_multiple %mul3A_187, 8 : i32
        %dma_start3A_189 = tpu.memref_slice %arg7[%multiple_of3A_188] : memref<25600xi32, #tpu.memory_space<vmem>> -> memref<200xi32, #tpu.memory_space<vmem>>
        %dma_start3A_190 = arith.constant 0 : i32
        %dma_start3A_191 = arith.constant 0 : i32
        %dma_start3A_192 = tpu.memref_slice %arg3[%dma_start3A_190, %dma_start3A_191] : memref<1000000x64xf32, #tpu.memory_space<hbm>> -> memref<1000000x64xf32, #tpu.memory_space<hbm>>
        tpu.enqueue_indirect_dma source(%dma_start3A_192 : memref<1000000x64xf32, #tpu.memory_space<hbm>>) target(%arg9 : memref<200x64xf32, #tpu.memory_space<vmem>>) offsets(%dma_start3A_189 : memref<200xi32, #tpu.memory_space<vmem>>) semaphore(%arg13 : memref<!tpu.dma_semaphore, #tpu.memory_space<semaphore_mem>>)
      } else {
      }
      %add3A_144 = arith.constant 3 : i32
      %add3A_145 = arith.addi %mul3A_34, %add3A_144 : i32
      %dma_wait3A_146 = arith.constant 0 : i32
      %dma_wait3A_147 = tpu.memref_slice %arg7[%dma_wait3A_146] : memref<25600xi32, #tpu.memory_space<vmem>> -> memref<200xi32, #tpu.memory_space<vmem>>
      %dma_wait3A_148 = arith.constant 0 : i32
      %dma_wait3A_149 = arith.constant 0 : i32
      %dma_wait3A_150 = tpu.memref_slice %arg3[%dma_wait3A_148, %dma_wait3A_149] : memref<1000000x64xf32, #tpu.memory_space<hbm>> -> memref<1000000x64xf32, #tpu.memory_space<hbm>>
      tpu.wait_indirect_dma semaphore(%arg15 : memref<!tpu.dma_semaphore, #tpu.memory_space<semaphore_mem>>) src(%dma_wait3A_150 : memref<1000000x64xf32, #tpu.memory_space<hbm>>) dst(%arg11 : memref<200x64xf32, #tpu.memory_space<vmem>>)
      %scan3A_151 = arith.constant 0 : i32
      %scan3A_152 = arith.constant 0 : i32
      %scan3A_153 = arith.constant 50 : i32
      %scan3A_154 = arith.addi %scan3A_152, %scan3A_153 : i32
      %scan3A_155 = arith.constant 1 : i32
      scf.for %scan3A_182 = %scan3A_152 to %scan3A_154 step %scan3A_155  : i32 {
        %mul3A_183 = arith.constant 4 : i32
        %mul3A_184 = arith.muli %scan3A_182, %mul3A_183 : i32
        %add3A_185 = arith.constant 0 : i32
        %add3A_186 = arith.addi %mul3A_184, %add3A_185 : i32
        %get3A = arith.index_cast %add3A_186 : i32 to index
        %get3A_187 = arith.constant 0 : index
        %get3A_188 = tpu.vector_load %arg6[%get3A, %get3A_187] {strides = array<i32>} : memref<200x64xf32, #tpu.memory_space<vmem>>, vector<1x16xf32>,
        %get3A_189 = vector.shape_cast %get3A_188 : vector<1x16xf32> to vector<16xf32>
        %swap3A = arith.index_cast %add3A_186 : i32 to index
        %swap3A_190 = arith.constant 0 : index
        %swap3A_191 = tpu.vector_load %arg11[%swap3A, %swap3A_190] {strides = array<i32>} : memref<200x64xf32, #tpu.memory_space<vmem>>, vector<1x16xf32>,
        %swap3A_192 = vector.shape_cast %swap3A_191 : vector<1x16xf32> to vector<16xf32>
        %swap3A_193 = vector.shape_cast %get3A_189 : vector<16xf32> to vector<1x16xf32>
        tpu.vector_store %arg11[%swap3A, %swap3A_190], %swap3A_193 {add = true, strides = array<i32>} : memref<200x64xf32, #tpu.memory_space<vmem>>, vector<1x16xf32>,
        %get3A_194 = arith.index_cast %add3A_186 : i32 to index
        %get3A_195 = arith.constant 16 : index
        %get3A_196 = tpu.vector_load %arg6[%get3A_194, %get3A_195] {strides = array<i32>} : memref<200x64xf32, #tpu.memory_space<vmem>>, vector<1x16xf32>,
        %get3A_197 = vector.shape_cast %get3A_196 : vector<1x16xf32> to vector<16xf32>
        %swap3A_198 = arith.index_cast %add3A_186 : i32 to index
        %swap3A_199 = arith.constant 16 : index
        %swap3A_200 = tpu.vector_load %arg11[%swap3A_198, %swap3A_199] {strides = array<i32>} : memref<200x64xf32, #tpu.memory_space<vmem>>, vector<1x16xf32>,
        %swap3A_201 = vector.shape_cast %swap3A_200 : vector<1x16xf32> to vector<16xf32>
        %swap3A_202 = vector.shape_cast %get3A_197 : vector<16xf32> to vector<1x16xf32>
        tpu.vector_store %arg11[%swap3A_198, %swap3A_199], %swap3A_202 {add = true, strides = array<i32>} : memref<200x64xf32, #tpu.memory_space<vmem>>, vector<1x16xf32>,
        %get3A_203 = arith.index_cast %add3A_186 : i32 to index
        %get3A_204 = arith.constant 32 : index
        %get3A_205 = tpu.vector_load %arg6[%get3A_203, %get3A_204] {strides = array<i32>} : memref<200x64xf32, #tpu.memory_space<vmem>>, vector<1x16xf32>,
        %get3A_206 = vector.shape_cast %get3A_205 : vector<1x16xf32> to vector<16xf32>
        %swap3A_207 = arith.index_cast %add3A_186 : i32 to index
        %swap3A_208 = arith.constant 32 : index
        %swap3A_209 = tpu.vector_load %arg11[%swap3A_207, %swap3A_208] {strides = array<i32>} : memref<200x64xf32, #tpu.memory_space<vmem>>, vector<1x16xf32>,
        %swap3A_210 = vector.shape_cast %swap3A_209 : vector<1x16xf32> to vector<16xf32>
        %swap3A_211 = vector.shape_cast %get3A_206 : vector<16xf32> to vector<1x16xf32>
        tpu.vector_store %arg11[%swap3A_207, %swap3A_208], %swap3A_211 {add = true, strides = array<i32>} : memref<200x64xf32, #tpu.memory_space<vmem>>, vector<1x16xf32>,
        %get3A_212 = arith.index_cast %add3A_186 : i32 to index
        %get3A_213 = arith.constant 48 : index
        %get3A_214 = tpu.vector_load %arg6[%get3A_212, %get3A_213] {strides = array<i32>} : memref<200x64xf32, #tpu.memory_space<vmem>>, vector<1x16xf32>,
        %get3A_215 = vector.shape_cast %get3A_214 : vector<1x16xf32> to vector<16xf32>
        %swap3A_216 = arith.index_cast %add3A_186 : i32 to index
        %swap3A_217 = arith.constant 48 : index
        %swap3A_218 = tpu.vector_load %arg11[%swap3A_216, %swap3A_217] {strides = array<i32>} : memref<200x64xf32, #tpu.memory_space<vmem>>, vector<1x16xf32>,
        %swap3A_219 = vector.shape_cast %swap3A_218 : vector<1x16xf32> to vector<16xf32>
        %swap3A_220 = vector.shape_cast %get3A_215 : vector<16xf32> to vector<1x16xf32>
        tpu.vector_store %arg11[%swap3A_216, %swap3A_217], %swap3A_220 {add = true, strides = array<i32>} : memref<200x64xf32, #tpu.memory_space<vmem>>, vector<1x16xf32>,
        %mul3A_221 = arith.constant 4 : i32
        %mul3A_222 = arith.muli %scan3A_182, %mul3A_221 : i32
        %add3A_223 = arith.constant 1 : i32
        %add3A_224 = arith.addi %mul3A_222, %add3A_223 : i32
        %get3A_225 = arith.index_cast %add3A_224 : i32 to index
        %get3A_226 = arith.constant 0 : index
        %get3A_227 = tpu.vector_load %arg6[%get3A_225, %get3A_226] {strides = array<i32>} : memref<200x64xf32, #tpu.memory_space<vmem>>, vector<1x16xf32>,
        %get3A_228 = vector.shape_cast %get3A_227 : vector<1x16xf32> to vector<16xf32>
        %swap3A_229 = arith.index_cast %add3A_224 : i32 to index
        %swap3A_230 = arith.constant 0 : index
        %swap3A_231 = tpu.vector_load %arg11[%swap3A_229, %swap3A_230] {strides = array<i32>} : memref<200x64xf32, #tpu.memory_space<vmem>>, vector<1x16xf32>,
        %swap3A_232 = vector.shape_cast %swap3A_231 : vector<1x16xf32> to vector<16xf32>
        %swap3A_233 = vector.shape_cast %get3A_228 : vector<16xf32> to vector<1x16xf32>
        tpu.vector_store %arg11[%swap3A_229, %swap3A_230], %swap3A_233 {add = true, strides = array<i32>} : memref<200x64xf32, #tpu.memory_space<vmem>>, vector<1x16xf32>,
        %get3A_234 = arith.index_cast %add3A_224 : i32 to index
        %get3A_235 = arith.constant 16 : index
        %get3A_236 = tpu.vector_load %arg6[%get3A_234, %get3A_235] {strides = array<i32>} : memref<200x64xf32, #tpu.memory_space<vmem>>, vector<1x16xf32>,
        %get3A_237 = vector.shape_cast %get3A_236 : vector<1x16xf32> to vector<16xf32>
        %swap3A_238 = arith.index_cast %add3A_224 : i32 to index
        %swap3A_239 = arith.constant 16 : index
        %swap3A_240 = tpu.vector_load %arg11[%swap3A_238, %swap3A_239] {strides = array<i32>} : memref<200x64xf32, #tpu.memory_space<vmem>>, vector<1x16xf32>,
        %swap3A_241 = vector.shape_cast %swap3A_240 : vector<1x16xf32> to vector<16xf32>
        %swap3A_242 = vector.shape_cast %get3A_237 : vector<16xf32> to vector<1x16xf32>
        tpu.vector_store %arg11[%swap3A_238, %swap3A_239], %swap3A_242 {add = true, strides = array<i32>} : memref<200x64xf32, #tpu.memory_space<vmem>>, vector<1x16xf32>,
        %get3A_243 = arith.index_cast %add3A_224 : i32 to index
        %get3A_244 = arith.constant 32 : index
        %get3A_245 = tpu.vector_load %arg6[%get3A_243, %get3A_244] {strides = array<i32>} : memref<200x64xf32, #tpu.memory_space<vmem>>, vector<1x16xf32>,
        %get3A_246 = vector.shape_cast %get3A_245 : vector<1x16xf32> to vector<16xf32>
        %swap3A_247 = arith.index_cast %add3A_224 : i32 to index
        %swap3A_248 = arith.constant 32 : index
        %swap3A_249 = tpu.vector_load %arg11[%swap3A_247, %swap3A_248] {strides = array<i32>} : memref<200x64xf32, #tpu.memory_space<vmem>>, vector<1x16xf32>,
        %swap3A_250 = vector.shape_cast %swap3A_249 : vector<1x16xf32> to vector<16xf32>
        %swap3A_251 = vector.shape_cast %get3A_246 : vector<16xf32> to vector<1x16xf32>
        tpu.vector_store %arg11[%swap3A_247, %swap3A_248], %swap3A_251 {add = true, strides = array<i32>} : memref<200x64xf32, #tpu.memory_space<vmem>>, vector<1x16xf32>,
        %get3A_252 = arith.index_cast %add3A_224 : i32 to index
        %get3A_253 = arith.constant 48 : index
        %get3A_254 = tpu.vector_load %arg6[%get3A_252, %get3A_253] {strides = array<i32>} : memref<200x64xf32, #tpu.memory_space<vmem>>, vector<1x16xf32>,
        %get3A_255 = vector.shape_cast %get3A_254 : vector<1x16xf32> to vector<16xf32>
        %swap3A_256 = arith.index_cast %add3A_224 : i32 to index
        %swap3A_257 = arith.constant 48 : index
        %swap3A_258 = tpu.vector_load %arg11[%swap3A_256, %swap3A_257] {strides = array<i32>} : memref<200x64xf32, #tpu.memory_space<vmem>>, vector<1x16xf32>,
        %swap3A_259 = vector.shape_cast %swap3A_258 : vector<1x16xf32> to vector<16xf32>
        %swap3A_260 = vector.shape_cast %get3A_255 : vector<16xf32> to vector<1x16xf32>
        tpu.vector_store %arg11[%swap3A_256, %swap3A_257], %swap3A_260 {add = true, strides = array<i32>} : memref<200x64xf32, #tpu.memory_space<vmem>>, vector<1x16xf32>,
        %mul3A_261 = arith.constant 4 : i32
        %mul3A_262 = arith.muli %scan3A_182, %mul3A_261 : i32
        %add3A_263 = arith.constant 2 : i32
        %add3A_264 = arith.addi %mul3A_262, %add3A_263 : i32
        %get3A_265 = arith.index_cast %add3A_264 : i32 to index
        %get3A_266 = arith.constant 0 : index
        %get3A_267 = tpu.vector_load %arg6[%get3A_265, %get3A_266] {strides = array<i32>} : memref<200x64xf32, #tpu.memory_space<vmem>>, vector<1x16xf32>,
        %get3A_268 = vector.shape_cast %get3A_267 : vector<1x16xf32> to vector<16xf32>
        %swap3A_269 = arith.index_cast %add3A_264 : i32 to index
        %swap3A_270 = arith.constant 0 : index
        %swap3A_271 = tpu.vector_load %arg11[%swap3A_269, %swap3A_270] {strides = array<i32>} : memref<200x64xf32, #tpu.memory_space<vmem>>, vector<1x16xf32>,
        %swap3A_272 = vector.shape_cast %swap3A_271 : vector<1x16xf32> to vector<16xf32>
        %swap3A_273 = vector.shape_cast %get3A_268 : vector<16xf32> to vector<1x16xf32>
        tpu.vector_store %arg11[%swap3A_269, %swap3A_270], %swap3A_273 {add = true, strides = array<i32>} : memref<200x64xf32, #tpu.memory_space<vmem>>, vector<1x16xf32>,
        %get3A_274 = arith.index_cast %add3A_264 : i32 to index
        %get3A_275 = arith.constant 16 : index
        %get3A_276 = tpu.vector_load %arg6[%get3A_274, %get3A_275] {strides = array<i32>} : memref<200x64xf32, #tpu.memory_space<vmem>>, vector<1x16xf32>,
        %get3A_277 = vector.shape_cast %get3A_276 : vector<1x16xf32> to vector<16xf32>
        %swap3A_278 = arith.index_cast %add3A_264 : i32 to index
        %swap3A_279 = arith.constant 16 : index
        %swap3A_280 = tpu.vector_load %arg11[%swap3A_278, %swap3A_279] {strides = array<i32>} : memref<200x64xf32, #tpu.memory_space<vmem>>, vector<1x16xf32>,
        %swap3A_281 = vector.shape_cast %swap3A_280 : vector<1x16xf32> to vector<16xf32>
        %swap3A_282 = vector.shape_cast %get3A_277 : vector<16xf32> to vector<1x16xf32>
        tpu.vector_store %arg11[%swap3A_278, %swap3A_279], %swap3A_282 {add = true, strides = array<i32>} : memref<200x64xf32, #tpu.memory_space<vmem>>, vector<1x16xf32>,
        %get3A_283 = arith.index_cast %add3A_264 : i32 to index
        %get3A_284 = arith.constant 32 : index
        %get3A_285 = tpu.vector_load %arg6[%get3A_283, %get3A_284] {strides = array<i32>} : memref<200x64xf32, #tpu.memory_space<vmem>>, vector<1x16xf32>,
        %get3A_286 = vector.shape_cast %get3A_285 : vector<1x16xf32> to vector<16xf32>
        %swap3A_287 = arith.index_cast %add3A_264 : i32 to index
        %swap3A_288 = arith.constant 32 : index
        %swap3A_289 = tpu.vector_load %arg11[%swap3A_287, %swap3A_288] {strides = array<i32>} : memref<200x64xf32, #tpu.memory_space<vmem>>, vector<1x16xf32>,
        %swap3A_290 = vector.shape_cast %swap3A_289 : vector<1x16xf32> to vector<16xf32>
        %swap3A_291 = vector.shape_cast %get3A_286 : vector<16xf32> to vector<1x16xf32>
        tpu.vector_store %arg11[%swap3A_287, %swap3A_288], %swap3A_291 {add = true, strides = array<i32>} : memref<200x64xf32, #tpu.memory_space<vmem>>, vector<1x16xf32>,
        %get3A_292 = arith.index_cast %add3A_264 : i32 to index
        %get3A_293 = arith.constant 48 : index
        %get3A_294 = tpu.vector_load %arg6[%get3A_292, %get3A_293] {strides = array<i32>} : memref<200x64xf32, #tpu.memory_space<vmem>>, vector<1x16xf32>,
        %get3A_295 = vector.shape_cast %get3A_294 : vector<1x16xf32> to vector<16xf32>
        %swap3A_296 = arith.index_cast %add3A_264 : i32 to index
        %swap3A_297 = arith.constant 48 : index
        %swap3A_298 = tpu.vector_load %arg11[%swap3A_296, %swap3A_297] {strides = array<i32>} : memref<200x64xf32, #tpu.memory_space<vmem>>, vector<1x16xf32>,
        %swap3A_299 = vector.shape_cast %swap3A_298 : vector<1x16xf32> to vector<16xf32>
        %swap3A_300 = vector.shape_cast %get3A_295 : vector<16xf32> to vector<1x16xf32>
        tpu.vector_store %arg11[%swap3A_296, %swap3A_297], %swap3A_300 {add = true, strides = array<i32>} : memref<200x64xf32, #tpu.memory_space<vmem>>, vector<1x16xf32>,
        %mul3A_301 = arith.constant 4 : i32
        %mul3A_302 = arith.muli %scan3A_182, %mul3A_301 : i32
        %add3A_303 = arith.constant 3 : i32
        %add3A_304 = arith.addi %mul3A_302, %add3A_303 : i32
        %get3A_305 = arith.index_cast %add3A_304 : i32 to index
        %get3A_306 = arith.constant 0 : index
        %get3A_307 = tpu.vector_load %arg6[%get3A_305, %get3A_306] {strides = array<i32>} : memref<200x64xf32, #tpu.memory_space<vmem>>, vector<1x16xf32>,
        %get3A_308 = vector.shape_cast %get3A_307 : vector<1x16xf32> to vector<16xf32>
        %swap3A_309 = arith.index_cast %add3A_304 : i32 to index
        %swap3A_310 = arith.constant 0 : index
        %swap3A_311 = tpu.vector_load %arg11[%swap3A_309, %swap3A_310] {strides = array<i32>} : memref<200x64xf32, #tpu.memory_space<vmem>>, vector<1x16xf32>,
        %swap3A_312 = vector.shape_cast %swap3A_311 : vector<1x16xf32> to vector<16xf32>
        %swap3A_313 = vector.shape_cast %get3A_308 : vector<16xf32> to vector<1x16xf32>
        tpu.vector_store %arg11[%swap3A_309, %swap3A_310], %swap3A_313 {add = true, strides = array<i32>} : memref<200x64xf32, #tpu.memory_space<vmem>>, vector<1x16xf32>,
        %get3A_314 = arith.index_cast %add3A_304 : i32 to index
        %get3A_315 = arith.constant 16 : index
        %get3A_316 = tpu.vector_load %arg6[%get3A_314, %get3A_315] {strides = array<i32>} : memref<200x64xf32, #tpu.memory_space<vmem>>, vector<1x16xf32>,
        %get3A_317 = vector.shape_cast %get3A_316 : vector<1x16xf32> to vector<16xf32>
        %swap3A_318 = arith.index_cast %add3A_304 : i32 to index
        %swap3A_319 = arith.constant 16 : index
        %swap3A_320 = tpu.vector_load %arg11[%swap3A_318, %swap3A_319] {strides = array<i32>} : memref<200x64xf32, #tpu.memory_space<vmem>>, vector<1x16xf32>,
        %swap3A_321 = vector.shape_cast %swap3A_320 : vector<1x16xf32> to vector<16xf32>
        %swap3A_322 = vector.shape_cast %get3A_317 : vector<16xf32> to vector<1x16xf32>
        tpu.vector_store %arg11[%swap3A_318, %swap3A_319], %swap3A_322 {add = true, strides = array<i32>} : memref<200x64xf32, #tpu.memory_space<vmem>>, vector<1x16xf32>,
        %get3A_323 = arith.index_cast %add3A_304 : i32 to index
        %get3A_324 = arith.constant 32 : index
        %get3A_325 = tpu.vector_load %arg6[%get3A_323, %get3A_324] {strides = array<i32>} : memref<200x64xf32, #tpu.memory_space<vmem>>, vector<1x16xf32>,
        %get3A_326 = vector.shape_cast %get3A_325 : vector<1x16xf32> to vector<16xf32>
        %swap3A_327 = arith.index_cast %add3A_304 : i32 to index
        %swap3A_328 = arith.constant 32 : index
        %swap3A_329 = tpu.vector_load %arg11[%swap3A_327, %swap3A_328] {strides = array<i32>} : memref<200x64xf32, #tpu.memory_space<vmem>>, vector<1x16xf32>,
        %swap3A_330 = vector.shape_cast %swap3A_329 : vector<1x16xf32> to vector<16xf32>
        %swap3A_331 = vector.shape_cast %get3A_326 : vector<16xf32> to vector<1x16xf32>
        tpu.vector_store %arg11[%swap3A_327, %swap3A_328], %swap3A_331 {add = true, strides = array<i32>} : memref<200x64xf32, #tpu.memory_space<vmem>>, vector<1x16xf32>,
        %get3A_332 = arith.index_cast %add3A_304 : i32 to index
        %get3A_333 = arith.constant 48 : index
        %get3A_334 = tpu.vector_load %arg6[%get3A_332, %get3A_333] {strides = array<i32>} : memref<200x64xf32, #tpu.memory_space<vmem>>, vector<1x16xf32>,
        %get3A_335 = vector.shape_cast %get3A_334 : vector<1x16xf32> to vector<16xf32>
        %swap3A_336 = arith.index_cast %add3A_304 : i32 to index
        %swap3A_337 = arith.constant 48 : index
        %swap3A_338 = tpu.vector_load %arg11[%swap3A_336, %swap3A_337] {strides = array<i32>} : memref<200x64xf32, #tpu.memory_space<vmem>>, vector<1x16xf32>,
        %swap3A_339 = vector.shape_cast %swap3A_338 : vector<1x16xf32> to vector<16xf32>
        %swap3A_340 = vector.shape_cast %get3A_335 : vector<16xf32> to vector<1x16xf32>
        tpu.vector_store %arg11[%swap3A_336, %swap3A_337], %swap3A_340 {add = true, strides = array<i32>} : memref<200x64xf32, #tpu.memory_space<vmem>>, vector<1x16xf32>,
      }
      %scan3A_156 = arith.constant 50 : i32
      %mul3A_157 = arith.constant 128 : i32
      %mul3A_158 = arith.muli %add3A, %mul3A_157 : i32
      %add3A_159 = arith.addi %mul3A_158, %add3A_145 : i32
      %dma_start3A_160 = arith.constant 0 : i32
      %dma_start3A_161 = arith.constant 0 : i32
      %dma_start3A_162 = tpu.memref_slice %arg5[%add3A_159, %dma_start3A_160, %dma_start3A_161] : memref<4096x200x64xf32, #tpu.memory_space<hbm>> -> memref<1x200x64xf32, #tpu.memory_space<hbm>>
      %dma_start3A_163 = tpu.memref_squeeze %dma_start3A_162 : memref<1x200x64xf32, #tpu.memory_space<hbm>> -> memref<200x64xf32, #tpu.memory_space<hbm>>
      %dma_start3A_164 = arith.constant 0 : i32
      %dma_start3A_165 = arith.constant 0 : i32
      %dma_start3A_166 = tpu.memref_slice %arg5[%add3A_159, %dma_start3A_164, %dma_start3A_165] : memref<4096x200x64xf32, #tpu.memory_space<hbm>> -> memref<1x200x64xf32, #tpu.memory_space<hbm>>
      %dma_start3A_167 = tpu.memref_squeeze %dma_start3A_166 : memref<1x200x64xf32, #tpu.memory_space<hbm>> -> memref<200x64xf32, #tpu.memory_space<hbm>>
      tpu.enqueue_dma source(%arg11 : memref<200x64xf32, #tpu.memory_space<vmem>>) target(%dma_start3A_167 : memref<200x64xf32, #tpu.memory_space<hbm>>) target_semaphore(%arg19 : memref<!tpu.dma_semaphore, #tpu.memory_space<semaphore_mem>>)
      %ge3A_168 = arith.constant 1 : i32
      %ge3A_169 = arith.cmpi sge, %add3A_145, %ge3A_168 : i32
      %convert_element_type3A_170 = arith.extui %ge3A_169 : i1 to i32
      %cond3A_171 = arith.constant 0 : i32
      %cond3A_172 = arith.cmpi ne, %convert_element_type3A_170, %cond3A_171 : i32
      scf.if %cond3A_172 {
        %dma_wait3A_182 = arith.constant 0 : i32
        %dma_wait3A_183 = arith.constant 0 : i32
        %dma_wait3A_184 = arith.constant 0 : i32
        %dma_wait3A_185 = tpu.memref_slice %arg5[%dma_wait3A_182, %dma_wait3A_183, %dma_wait3A_184] : memref<4096x200x64xf32, #tpu.memory_space<hbm>> -> memref<1x200x64xf32, #tpu.memory_space<hbm>>
        %dma_wait3A_186 = tpu.memref_squeeze %dma_wait3A_185 : memref<1x200x64xf32, #tpu.memory_space<hbm>> -> memref<200x64xf32, #tpu.memory_space<hbm>>
        %dma_wait3A_187 = arith.constant 0 : i32
        %dma_wait3A_188 = arith.constant 0 : i32
        %dma_wait3A_189 = tpu.memref_slice %arg5[%dma_wait3A_182, %dma_wait3A_187, %dma_wait3A_188] : memref<4096x200x64xf32, #tpu.memory_space<hbm>> -> memref<1x200x64xf32, #tpu.memory_space<hbm>>
        %dma_wait3A_190 = tpu.memref_squeeze %dma_wait3A_189 : memref<1x200x64xf32, #tpu.memory_space<hbm>> -> memref<200x64xf32, #tpu.memory_space<hbm>>
        tpu.wait_dma2 semaphore(%arg18 : memref<!tpu.dma_semaphore, #tpu.memory_space<semaphore_mem>>) src(%arg10 : memref<200x64xf32, #tpu.memory_space<vmem>>) dst(%dma_wait3A_190 : memref<200x64xf32, #tpu.memory_space<hbm>>)
      } else {
      }
      %add3A_173 = arith.constant 4 : i32
      %add3A_174 = arith.addi %add3A_145, %add3A_173 : i32
      %sub3A_175 = arith.constant 1 : i32
      %sub3A_176 = arith.subi %add3A_174, %sub3A_175 : i32
      %lt3A_177 = arith.constant 128 : i32
      %lt3A_178 = arith.cmpi slt, %sub3A_176, %lt3A_177 : i32
      %convert_element_type3A_179 = arith.extui %lt3A_178 : i1 to i32
      %cond3A_180 = arith.constant 0 : i32
      %cond3A_181 = arith.cmpi ne, %convert_element_type3A_179, %cond3A_180 : i32
      scf.if %cond3A_181 {
        %add3A_182 = arith.constant 4 : i32
        %add3A_183 = arith.addi %add3A_145, %add3A_182 : i32
        %sub3A_184 = arith.constant 1 : i32
        %sub3A_185 = arith.subi %add3A_183, %sub3A_184 : i32
        %mul3A_186 = arith.constant 200 : i32
        %mul3A_187 = arith.muli %sub3A_185, %mul3A_186 : i32
        %multiple_of3A_188 = tpu.assume_multiple %mul3A_187, 8 : i32
        %dma_start3A_189 = tpu.memref_slice %arg7[%multiple_of3A_188] : memref<25600xi32, #tpu.memory_space<vmem>> -> memref<200xi32, #tpu.memory_space<vmem>>
        %dma_start3A_190 = arith.constant 0 : i32
        %dma_start3A_191 = arith.constant 0 : i32
        %dma_start3A_192 = tpu.memref_slice %arg3[%dma_start3A_190, %dma_start3A_191] : memref<1000000x64xf32, #tpu.memory_space<hbm>> -> memref<1000000x64xf32, #tpu.memory_space<hbm>>
        tpu.enqueue_indirect_dma source(%dma_start3A_192 : memref<1000000x64xf32, #tpu.memory_space<hbm>>) target(%arg10 : memref<200x64xf32, #tpu.memory_space<vmem>>) offsets(%dma_start3A_189 : memref<200xi32, #tpu.memory_space<vmem>>) semaphore(%arg14 : memref<!tpu.dma_semaphore, #tpu.memory_space<semaphore_mem>>)
      } else {
      }
    }
    %scan3A_23 = arith.constant 32 : i32
    %dma_wait3A = arith.constant 0 : i32
    %dma_wait3A_24 = arith.constant 0 : i32
    %dma_wait3A_25 = arith.constant 0 : i32
    %dma_wait3A_26 = tpu.memref_slice %arg5[%dma_wait3A, %dma_wait3A_24, %dma_wait3A_25] : memref<4096x200x64xf32, #tpu.memory_space<hbm>> -> memref<1x200x64xf32, #tpu.memory_space<hbm>>
    %dma_wait3A_27 = tpu.memref_squeeze %dma_wait3A_26 : memref<1x200x64xf32, #tpu.memory_space<hbm>> -> memref<200x64xf32, #tpu.memory_space<hbm>>
    %dma_wait3A_28 = arith.constant 0 : i32
    %dma_wait3A_29 = arith.constant 0 : i32
    %dma_wait3A_30 = tpu.memref_slice %arg5[%dma_wait3A, %dma_wait3A_28, %dma_wait3A_29] : memref<4096x200x64xf32, #tpu.memory_space<hbm>> -> memref<1x200x64xf32, #tpu.memory_space<hbm>>
    %dma_wait3A_31 = tpu.memref_squeeze %dma_wait3A_30 : memref<1x200x64xf32, #tpu.memory_space<hbm>> -> memref<200x64xf32, #tpu.memory_space<hbm>>
    tpu.wait_dma2 semaphore(%arg19 : memref<!tpu.dma_semaphore, #tpu.memory_space<semaphore_mem>>) src(%arg11 : memref<200x64xf32, #tpu.memory_space<vmem>>) dst(%dma_wait3A_31 : memref<200x64xf32, #tpu.memory_space<hbm>>)
    return
  }
}

</mosaic_0001>

<sc_bundles>
// kernel: kernel.3.cloned.1.call-start
scs
__scs_entry_jumppad:
0x0: {  	(pc) =	sbr.rel $0x88, $3  }
0x1: {  	(tag) =	ssettag $0x0;
	lr =	simm.s32 $0x1  }
0x2: {  	[smem:$0x3F9E] =	sst lr;
	_ =	strace $0xD0000000  }
0x3: {  	_ = 	snop  }
0x4: {  	_ = 	snop  }
0x5: {  	_ = 	snop  }
0x6: {  	_ = 	snop  }
0x7: {  	_ = 	snop  }
__scs_overlays_trampoline_lowered:
0x8: {  	[smem:$0x3FAD] =	sst s0  }
0x9: {  	[smem:$0x3FAE] =	sst s1  }
0xa: {  	[smem:$0x3FAF] =	sst s2  }
0xb: {  	[smem:$0x3FB0] =	sst s3  }
0xc: {  	[smem:$0x3FB1] =	sst s4  }
0xd: {  	[smem:$0x3FB2] =	sst s5  }
0xe: {  	[smem:$0x3FB3] =	sst s6  }
0xf: {  	[smem:$0x3FB4] =	sst s7  }
0x10: {  	[smem:$0x3FB5] =	sst s8  }
0x11: {  	[smem:$0x3FB6] =	sst s9;
	s0 =	simm.s32 @!p0 $0x0  }
0x12: {  	s1 =	sld [smem:$0x3F9C];
	s0 =	simm.s32 @p0 $0x1  }
0x13: {  	[smem:$0x3FB7] =	sst s0;
	s0 =	simm.s32 @!p1 $0x0  }
0x14: {  	s2 =	sld [smem:$0x3F9B];
	s0 =	simm.s32 @p1 $0x1  }
0x15: {  	[smem:$0x3FB8] =	sst s0;
	s0 =	simm.s32 @!p2 $0x0  }
0x16: {  	s3 =	sld [smem:$0x3FDB];
	s0 =	simm.s32 @p2 $0x1  }
0x17: {  	s4 =	simm.s32 $0x1BF5;
	[smem:$0x3FBA] =	sst s0  }
0x18: {  	s0 =	sld [smem:$0x3F9D];
	_ =	swait.ge [sflag:s4], $0x0  }
0x19: {  	s7 =	sld [smem:$0x3F9E]  }
0x1a: {  	s8 =	sadd.s32 $0xFFFFE003, lr  }
0x1b: {  	s9 =	sadd.s32 $0xFFFFFEF7, lr;
	s5 =	simm.s32 $0xFFFFFFFF;
	p2 =	slt.u32 s8, $0xFFFFF086  }
0x1c: {  	p1 =	slt.u32 s9, $0xF7A;
	s5 =	simm.s32 @!p2 $0x0  }
0x1d: {  	s5 =	simm.s32 @p1 $0x1;
	p0 =	seq.s32 s7, s2  }
0x1e: {  	s7 =	smul.u32 @!p0 $0xF7A, s2;
	p2 =	seq.s32 @!p0 s5, $0x0  }
0x1f: {  	s9 =	smul.u32 $0xF7A, s1;
	s8 =	simm.s32 @!p0 $0x1BF5;
	p2 =	por !p2, p0  }
0x20: {  	[sflag:s8] =	ssyncset.s32 @!p0 $0xFFFFF086;
	s6 =	sadd.s32 @!p0 s3, s7;
	s7 =	simm.s32 @!p0 $0x108  }
0x21: {  	s3 =	sadd.s32 s3, s9;
	s6 =	sadd.s32 @!p0 $0x88, s6;
	s7 =	simm.s32 @p2 $0x1082  }
0x22: {  	[simem:s7], [sflag:s8] =	dma.local @!p0 [hbm:s6], $0xF7A  }
0x23: {  	s9 =	sor.u32 $0xD0000000, s2;
	s6 =	simm.s32 $0x108;
	_ =	swait.ge @!p0 [sflag:s8], $0x0  }
0x24: {  	s3 =	sadd.s32 $0x88, s3;
	s6 =	simm.s32 @!p1 $0x1082;
	[sflag:s4] =	ssyncset.s32 $0xFFFFF086  }
0x25: {  	[simem:s6], [sflag:s4] =	dma.local [hbm:s3], $0xF7A  }
0x26: {  	[smem:$0x3F9E] =	sst s1;
	(tag) =	ssettag s2;
	_ =	strace s9  }
0x27: {  	s1 =	sld [smem:$0x3FAE]  }
0x28: {  	s2 =	sld [smem:$0x3FAF]  }
0x29: {  	s4 =	sld [smem:$0x3FB1]  }
0x2a: {  	p0 =	seq.s32 s5, $0x0;
	s5 =	sld [smem:$0x3FB2]  }
0x2b: {  	s6 =	sld [smem:$0x3FB3]  }
0x2c: {  	s7 =	sld [smem:$0x3FB4]  }
0x2d: {  	s3 =	simm.s32 $0x108;
	s8 =	sld [smem:$0x3FB5]  }
0x2e: {  	s3 =	simm.s32 @!p0 $0x1082;
	s9 =	sld [smem:$0x3FB6]  }
0x2f: {  	lr =	sadd.s32 s0, s3;
	s0 =	sld [smem:$0x3FAD]  }
0x30: {  	s3 =	sld [smem:$0x3FB0]  }
0x31: {  	[smem:$0x3FB9] =	sst s10  }
0x32: {  	s10 =	sld [smem:$0x3FB7];
	_ =	sdelay $0x3  }
0x33: {  	p0 =	seq.s32 s10, $0x1;
	s10 =	sld [smem:$0x3FB9];
	_ =	sdelay $0x3  }
0x34: {  	[smem:$0x3FB9] =	sst s10  }
0x35: {  	s10 =	sld [smem:$0x3FB8];
	_ =	sdelay $0x3  }
0x36: {  	p1 =	seq.s32 s10, $0x1;
	s10 =	sld [smem:$0x3FB9];
	_ =	sdelay $0x3  }
0x37: {  	[smem:$0x3FB9] =	sst s10  }
0x38: {  	s10 =	sld [smem:$0x3FBA]  }
0x39: {  	_ = 	snop;
	(pc) =	sbr.ind lr, $3  }
0x3a: {  	_ = 	snop  }
0x3b: {  	_ = 	snop  }
0x3c: {  	p2 =	seq.s32 s10, $0x1;
	s10 =	sld [smem:$0x3FB9]  }
0x3d: {  	_ =	shalt  }
0x3e: {  	_ =	shalt  }
0x3f: {  	_ =	shalt  }
0x40: {  	_ =	shalt  }
0x41: {  	_ =	shalt  }
0x42: {  	_ =	shalt  }
0x43: {  	_ =	shalt  }
0x44: {  	_ =	shalt  }
0x45: {  	_ =	shalt  }
0x46: {  	_ =	shalt  }
0x47: {  	_ =	shalt  }
0x48: {  	_ =	shalt  }
0x49: {  	_ =	shalt  }
0x4a: {  	_ =	shalt  }
0x4b: {  	_ =	shalt  }
0x4c: {  	_ =	shalt  }
0x4d: {  	_ =	shalt  }
0x4e: {  	_ =	shalt  }
0x4f: {  	_ =	shalt  }
0x50: {  	_ =	shalt  }
0x51: {  	_ =	shalt  }
0x52: {  	_ =	shalt  }
0x53: {  	_ =	shalt  }
0x54: {  	_ =	shalt  }
0x55: {  	_ =	shalt  }
0x56: {  	_ =	shalt  }
0x57: {  	_ =	shalt  }
0x58: {  	_ =	shalt  }
0x59: {  	_ =	shalt  }
0x5a: {  	_ =	shalt  }
0x5b: {  	_ =	shalt  }
0x5c: {  	_ =	shalt  }
0x5d: {  	_ =	shalt  }
0x5e: {  	_ =	shalt  }
0x5f: {  	_ =	shalt  }
0x60: {  	_ =	shalt  }
0x61: {  	_ =	shalt  }
0x62: {  	_ =	shalt  }
0x63: {  	_ =	shalt  }
0x64: {  	_ =	shalt  }
0x65: {  	_ =	shalt  }
0x66: {  	_ =	shalt  }
0x67: {  	_ =	shalt  }
0x68: {  	_ =	shalt  }
0x69: {  	_ =	shalt  }
0x6a: {  	_ =	shalt  }
0x6b: {  	_ =	shalt  }
0x6c: {  	_ =	shalt  }
0x6d: {  	_ =	shalt  }
0x6e: {  	_ =	shalt  }
0x6f: {  	_ =	shalt  }
0x70: {  	_ =	shalt  }
0x71: {  	_ =	shalt  }
0x72: {  	_ =	shalt  }
0x73: {  	_ =	shalt  }
0x74: {  	_ =	shalt  }
0x75: {  	_ =	shalt  }
0x76: {  	_ =	shalt  }
0x77: {  	_ =	shalt  }
0x78: {  	_ =	shalt  }
0x79: {  	_ =	shalt  }
0x7a: {  	_ =	shalt  }
0x7b: {  	_ =	shalt  }
0x7c: {  	_ =	shalt  }
0x7d: {  	_ =	shalt  }
0x7e: {  	_ =	shalt  }
0x7f: {  	_ =	shalt  }
0x80: {  	_ =	shalt  }
0x81: {  	_ =	shalt  }
0x82: {  	_ =	shalt  }
0x83: {  	_ =	shalt  }
0x84: {  	_ =	shalt  }
0x85: {  	_ =	shalt  }
0x86: {  	_ =	shalt  }
0x87: {  	_ =	shalt  }
.Lfunc_end0:
.L_simem_size_0:
called_computation.1_lowered:
.L_overlay_start_0:
0x88: {  	s2 =	sld [smem:$0x3FD9]  }
0x89: {  	s3 =	sld [smem:$0x3FFE];
	_ =	sdelay $0x1  }
0x8a: {  	s1 =	srdreg.scid  }
0x8b: {  	s0 =	sand.u32 $0x1, s1  }
0x8c: {  	s17 =	sshll.u32 s0, $0xA;
	s2 =	sadd.s32 s3, s2  }
0x8d: {  	s2 =	sadd.s32 s2, s17  }
0x8e: {  	[smem:$0x3FC5] =	sst s2  }
0x8f: {  	_ = 	snop  }
0x90: {  	s2 =	sld [smem:$0x3FD0];
	(tm) =	ssettm $0x1  }
0x91: {  	s18 =	sld [smem:$0x3FFB];
	_ =	sdelay $0x3  }
0x92: {  	_ =	strace s18  }
0x93: {  	s3 =	sld [smem:$0x3FFC];
	_ =	sdelay $0x3  }
0x94: {  	_ =	strace s3  }
0x95: {  	s3 =	sld [smem:$0x3FFD];
	_ =	sdelay $0x3  }
0x96: {  	_ =	strace s3  }
0x97: {  	_ =	strace $0x8FFFFFFF  }
0x98: {  	s19 =	sld [smem:$0x3FDB];
	_ =	sdelay $0x1  }
0x99: {  	s4 =	simm.s32 $_scs_section_size  }
0x9a: {  	s5 =	simm.s32 $_size__tile_overlayer_lowered;
	s6 =	simm.s32 $_tile_overlayer_lowered  }
0x9b: {  	s22 =	simm.s32 $0x1BFF;
	s21 =	sshll.u32 s6, $0x1;
	s3 =	sadd.s32 s4, s19  }
0x9c: {  	s7 =	simm.s32 $0x0;
	s20 =	sshll.u32 s5, $0x1;
	s5 =	sadd.s32 s21, s3  }
0x9d: {  	[timem:s7], [sflag:s22] =	dma.local [hbm:s5], s20  }
0x9e: {  	_ =	swait.ge [sflag:s22], s20  }
0x9f: {  	s4 =	ssub.s32 $0x0, s20;
	[sflag:s22] =	ssyncset.done $0x0  }
0xa0: {  	[sflag:s22] =	ssyncadd.s32 s4;
	_ =	sdelay $0x1  }
0xa1: {  	s23 =	simm.s32 $0x1B8B  }
0xa2: {  	_ =	swait.ge [sflag:s23], $0x1  }
0xa3: {  	[sflag:s23] =	ssyncset.done $0x0  }
0xa4: {  	s25 =	simm.s32 $0x1B8E;
	s24 =	sld [smem:$0x3FFE];
	[sflag:s23] =	ssyncadd.s32 $0xFFFFFFFF  }
0xa5: {  	s26 =	simm.s32 $execute0_lowered;
	[smem:$0x3FD2] =	sst s25  }
0xa6: {  	s5 =	sshll.u32 s26, $0x1;
	_ =	strace $0x80000046;
	[dreg:$0x1] =	wrdreg $0xFFFFFFFF  }
0xa7: {  	s28 =	simm.s32 $_size_execute0_lowered;
	s3 =	sadd.s32 s3, s5;
	[dreg:$0x0] =	wrdreg $0x0  }
0xa8: {  	s5 =	sshll.u32 s28, $0x1;
	[dreg:$0x2] =	wrdreg s3  }
0xa9: {  	[dreg:$0x3] =	wrdreg s5  }
0xaa: {  	[dreg:$0x4] =	wrdreg $0xC0  }
0xab: {  	_ =	task [dreg:s7], $0x5FFFF  }
0xac: {  	[dreg:$0x1] =	wrdreg $0xFFFFFFFF  }
0xad: {  	[dreg:$0x0] =	wrdreg $0x60  }
0xae: {  	[dreg:$0x2] =	wrdreg s24  }
0xaf: {  	[dreg:$0x3] =	wrdreg s2  }
0xb0: {  	[dreg:$0x4] =	wrdreg $0x9  }
0xb1: {  	_ =	task.clear_ibuf [dreg:s7], $0x5FFFF;
	_ =	strace $0x90000046  }
0xb2: {  	s29 =	simm.s32 $0x9;
	_ =	strace $0x80000048  }
0xb3: {  	_ =	swait.ge [sflag:s29], $0x1  }
0xb4: {  	[sflag:s29] =	ssyncadd.s32 $0xFFFFFFFF  }
0xb5: {  	_ =	strace $0x90000048  }
0xb6: {  	_ =	sfence  }
0xb7: {  	s30 =	sld [smem:$0x0];
	_ =	sdelay $0x2  }
0xb8: {  	s31 =	sshll.u32 s1, $0xD;
	s1 =	sshrl.u32 s1, $0x2  }
0xb9: {  	s3 =	sand.u32 $0x4000, s31;
	s1 =	sadd.s32 s1, s30  }
0xba: {  	s0 =	sor.u32 s3, s0;
	s1 =	sshll.u32 s1, $0x11  }
0xbb: {  	s0 =	sor.u32 s1, s0  }
0xbc: {  	s0 =	sadd.s32 $0x8F2B, s0  }
0xbd: {  	[sflag:s0] =	ssyncadd.remote.s32 $0x1  }
0xbe: {  	_ =	sfence.sel $0xFFFF  }
0xbf: {  	[dreg:$0x0] =	wrdreg $0xFFFFFFFF;
	(pc) =	sbr.abs _section_cstart, $3  }
0xc0: {  	[dreg:$0x1] =	wrdreg $0xFFFFFFFF  }
0xc1: {  	_ =	task.clear_ibuf [dreg:s7], $0x2FFFF;
	_ =	strace $0x9FFFFFFF  }
0xc2: {  	(tm) =	ssettm $0x7FFFFFFF  }
0xc3: {  	_ =	shalt  }
tec
execute0_lowered:
.L_overlay_start_1:
0x0: {  	(tag) =	ssettag $0x1  }
0x1: {  	s0 =	srdreg.scid;
	s2 =	stileid.u32  }
0x2: {  	s1 =	rddreg [dreg:$0x0];
	s9 =	simm.s32 $0x9;
	s10 =	simm.s32 $0x3200  }
0x3: {  	s11 =	simm.s32 $0xC8;
	s12 =	simm.s32 $0x9600;
	s14 =	simm.s32 $0xC800  }
0x4: {  	s15 =	simm.s32 $0x3390;
	s16 =	simm.s32 $0xFA00;
	s17 =	simm.s32 $0x1  }
0x5: {  	s18 =	simm.s32 $0x12C00;
	s19 =	simm.s32 $0x2;
	s20 =	simm.s32 $0x5  }
0x6: {  	s21 =	simm.s32 $0x3;
	s22 =	simm.s32 $0x6;
	s23 =	simm.s32 $0x4  }
0x7: {  	s24 =	simm.s32 $0x7;
	s25 =	simm.s32 $0x8;
	s26 =	simm.s32 $0x0  }
0x8: {  	s0 =	sand.u32 $0x1, s0;
	s3 =	sshll.u32 s2, $0x1;
	s2 =	rddreg [dreg:$0x1]  }
.Ltmp0:
0x9: {  	s5 =	sadd.s32 $0x19C00, s1;
	s7 =	sor.u32 s0, s3;
	(pc) =	sbr.rel .LBB2_1-.Ltmp0, $4  }
0xa: {  	s3 =	simm.s32 $0x0;
	s0 =	ssub.s32 $0x2, s0;
	s4 =	smul.u32 $0xC80, s7  }
0xb: {  	[smem:$0x7FF] =	sst s3;
	s8 =	sshrl.u32 s0, $0x1;
	s7 =	sshll.u32 s7, $0x7  }
0xc: {  	_ =	strace $0x80000047;
	s0 =	ssub.s32 s0, s8;
	s6 =	sadd.s32 s4, s1  }
0xd: {  	s4 =	sadd.s32 $0xF43000, s1;
	s8 =	smax.u32 s0, $0x1;
	s6 =	sadd.s32 $0xC00, s6  }
.LBB2_12:
0xe: {  	s26 =	sadd.s32 $0x1, s26  }
0xf: {  	p0 =	sne.s32 s26, s8  }
.Ltmp1:
0x10: {  	_ = 	snop;
	(pc) =	sbr.rel @!p0 .LBB2_13-.Ltmp1, $4  }
0x11: {  	_ = 	snop  }
0x12: {  	_ =	swait.ge [sflag:s25], $0x3200  }
0x13: {  	[sflag:s25] =	ssyncset.done $0x0  }
0x14: {  	[sflag:s25] =	ssyncadd.s32 $0xFFFFCE00  }
.LBB2_1:
0x15: {  	[tilespmem:s3], [sflag:$0x9] =	stream.linear.gather [hbm4b:s5+s3], $0x3200, $0x38;
	[tilespmem:$0x15E00] =	vst v63  }
0x16: {  	_ =	swait.ge [sflag:s9], $0x3200  }
0x17: {  	[sflag:s9] =	ssyncset.done $0x0  }
0x18: {  	[sflag:s9] =	ssyncadd.s32 $0xFFFFCE00  }
0x19: {  	[tilespmem:s10], [sflag:$0x9] =	stream.linear.gather [hbm4b:s6+s3], $0x6400, $0x38;
	[tilespmem:$0x15E00] =	vst v63  }
0x1a: {  	_ =	swait.ge [sflag:s9], $0x6400  }
0x1b: {  	[sflag:s9] =	ssyncset.done $0x0  }
0x1c: {  	[sflag:s9] =	ssyncadd.s32 $0xFFFF9C00  }
0x1d: {  	[tilespmem:s12], [sflag:$0x1] =	stream.indirect.gather [hbm4b:s4+s11], $0x40, s10, s11, $0xb8;
	[tilespmem:$0x15E00] =	vst v63  }
0x1e: {  	s0 =	simm.s32 $0x32C8  }
0x1f: {  	[tilespmem:s14], [sflag:$0x2] =	stream.indirect.gather [hbm4b:s4+s11], $0x40, s0, s11, $0xb8;
	[tilespmem:$0x15E00] =	vst v63  }
0x20: {  	s28 =	simm.s32 $0x0  }
0x21: {  	[tilespmem:s16], [sflag:$0x3] =	stream.indirect.gather [hbm4b:s4+s11], $0x40, s15, s11, $0xb8;
	[tilespmem:$0x15E00] =	vst v63  }
.LBB2_2:
0x22: {  	_ =	swait.ge [sflag:s17], $0x3200  }
0x23: {  	[sflag:s17] =	ssyncset.done $0x0  }
0x24: {  	s29 =	simm.s32 $0x0;
	s1 =	simm.s32 $0x400;
	[sflag:s17] =	ssyncadd.s32 $0xFFFFCE00  }
.LBB2_3:
0x25: {  	p0 =	sne.s32 s1, $0xC400;
	v0 =	vld [tilespmem:s29+$0xF0]  }
0x26: {  	v1 =	vld [tilespmem:s29+$0x0]  }
0x27: {  	v2 =	vld [tilespmem:s29+$0x10]  }
0x28: {  	v3 =	vld [tilespmem:s29+$0x20]  }
0x29: {  	v4 =	vld [tilespmem:s29+$0x30]  }
0x2a: {  	[tilespmem:s29+$0x96F0] =	vst.add.f32.msk $0xffff, v0  }
0x2b: {  	v0 =	vld [tilespmem:s29+$0x40]  }
0x2c: {  	v5 =	vld [tilespmem:s29+$0x50]  }
0x2d: {  	v6 =	vld [tilespmem:s29+$0x60]  }
0x2e: {  	v7 =	vld [tilespmem:s29+$0x70]  }
0x2f: {  	v8 =	vld [tilespmem:s29+$0x80]  }
0x30: {  	v9 =	vld [tilespmem:s29+$0x90]  }
0x31: {  	v10 =	vld [tilespmem:s29+$0xA0]  }
0x32: {  	v11 =	vld [tilespmem:s29+$0xB0]  }
0x33: {  	v12 =	vld [tilespmem:s29+$0xC0]  }
0x34: {  	v13 =	vld [tilespmem:s29+$0xD0]  }
0x35: {  	v14 =	vld [tilespmem:s29+$0xE0]  }
0x36: {  	[tilespmem:s29+$0x9600] =	vst.add.f32.msk $0xffff, v1  }
0x37: {  	[tilespmem:s29+$0x9610] =	vst.add.f32.msk $0xffff, v2  }
0x38: {  	[tilespmem:s29+$0x9620] =	vst.add.f32.msk $0xffff, v3  }
0x39: {  	[tilespmem:s29+$0x9630] =	vst.add.f32.msk $0xffff, v4  }
0x3a: {  	[tilespmem:s29+$0x9640] =	vst.add.f32.msk $0xffff, v0  }
0x3b: {  	[tilespmem:s29+$0x9650] =	vst.add.f32.msk $0xffff, v5  }
0x3c: {  	[tilespmem:s29+$0x9660] =	vst.add.f32.msk $0xffff, v6  }
0x3d: {  	[tilespmem:s29+$0x9670] =	vst.add.f32.msk $0xffff, v7  }
0x3e: {  	[tilespmem:s29+$0x9680] =	vst.add.f32.msk $0xffff, v8  }
0x3f: {  	[tilespmem:s29+$0x9690] =	vst.add.f32.msk $0xffff, v9  }
.Ltmp2:
0x40: {  	[tilespmem:s29+$0x96A0] =	vst.add.f32.msk $0xffff, v10;
	(pc) =	sbr.rel @p0 .LBB2_3-.Ltmp2, $4  }
0x41: {  	[tilespmem:s29+$0x96B0] =	vst.add.f32.msk $0xffff, v11  }
0x42: {  	[tilespmem:s29+$0x96C0] =	vst.add.f32.msk $0xffff, v12  }
0x43: {  	[tilespmem:s29+$0x96D0] =	vst.add.f32.msk $0xffff, v13  }
0x44: {  	[tilespmem:s29+$0x96E0] =	vst.add.f32.msk $0xffff, v14;
	s29 =	sshra.s32 s1, $0x2;
	s1 =	sadd.s32 $0x400, s1  }
0x45: {  	v0 =	vld [tilespmem:s29+$0xF0]  }
0x46: {  	v1 =	vld [tilespmem:s29+$0x0]  }
0x47: {  	v2 =	vld [tilespmem:s29+$0x10]  }
0x48: {  	v3 =	vld [tilespmem:s29+$0x20]  }
0x49: {  	v4 =	vld [tilespmem:s29+$0x30]  }
0x4a: {  	v63 =	vld [tilespmem:s29+$0x40]  }
0x4b: {  	v5 =	vld [tilespmem:s29+$0x50]  }
0x4c: {  	v6 =	vld [tilespmem:s29+$0x60]  }
0x4d: {  	v7 =	vld [tilespmem:s29+$0x70]  }
0x4e: {  	v8 =	vld [tilespmem:s29+$0x80]  }
0x4f: {  	v9 =	vld [tilespmem:s29+$0x90]  }
0x50: {  	v10 =	vld [tilespmem:s29+$0xA0]  }
0x51: {  	v11 =	vld [tilespmem:s29+$0xB0]  }
0x52: {  	v12 =	vld [tilespmem:s29+$0xC0]  }
0x53: {  	v13 =	vld [tilespmem:s29+$0xD0]  }
0x54: {  	v14 =	vld [tilespmem:s29+$0xE0]  }
0x55: {  	[tilespmem:s29+$0x96F0] =	vst.add.f32.msk $0xffff, v0  }
0x56: {  	[tilespmem:s29+$0x9600] =	vst.add.f32.msk $0xffff, v1  }
0x57: {  	[tilespmem:s29+$0x9610] =	vst.add.f32.msk $0xffff, v2  }
0x58: {  	[tilespmem:s29+$0x9620] =	vst.add.f32.msk $0xffff, v3  }
0x59: {  	[tilespmem:s29+$0x9630] =	vst.add.f32.msk $0xffff, v4  }
0x5a: {  	[tilespmem:s29+$0x9640] =	vst.add.f32.msk $0xffff, v63  }
0x5b: {  	[tilespmem:s29+$0x9650] =	vst.add.f32.msk $0xffff, v5  }
0x5c: {  	[tilespmem:s29+$0x9660] =	vst.add.f32.msk $0xffff, v6  }
0x5d: {  	[tilespmem:s29+$0x9670] =	vst.add.f32.msk $0xffff, v7  }
0x5e: {  	[tilespmem:s29+$0x9680] =	vst.add.f32.msk $0xffff, v8  }
0x5f: {  	[tilespmem:s29+$0x9690] =	vst.add.f32.msk $0xffff, v9  }
0x60: {  	s30 =	sshll.u32 s28, $0x2;
	[tilespmem:s29+$0x96A0] =	vst.add.f32.msk $0xffff, v10  }
0x61: {  	s0 =	sadd.s32 s7, s30;
	[tilespmem:s29+$0x96B0] =	vst.add.f32.msk $0xffff, v11  }
0x62: {  	s0 =	smul.u32 $0x640, s0;
	[tilespmem:s29+$0x96C0] =	vst.add.f32.msk $0xffff, v12  }
0x63: {  	[tilespmem:s29+$0x96D0] =	vst.add.f32.msk $0xffff, v13  }
0x64: {  	p0 =	seq.s32 s28, $0x0;
	s0 =	sadd.s32 s2, s0;
	[tilespmem:s29+$0x96E0] =	vst.add.f32.msk $0xffff, v14;
	s29 =	sor.u32 $0x3, s30  }
0x65: {  	[hbm4b:s0+s3] =	stream.linear.scatter [tilespmem:s12], [sflag:$0x5], $0x3200, $0x38;
	[tilespmem:$0x15E00] =	vst v63  }
0x66: {  	s0 =	simm.s32 @!p0 $0x8;
	s1 =	smul.u32 $0x320, s29  }
0x67: {  	_ =	swait.ge @!p0 [sflag:s0], $0x3200  }
0x68: {  	[sflag:s0] =	ssyncset.done @!p0 $0x0;
	s1 =	sshra.s32 s1, $0x2  }
0x69: {  	[sflag:s0] =	ssyncadd.s32 @!p0 $0xFFFFCE00;
	s13 =	sadd.s32 $0x3200, s1  }
0x6a: {  	[tilespmem:s18], [sflag:$0x4] =	stream.indirect.gather [hbm4b:s4+s11], $0x40, s13, s11, $0xb8;
	[tilespmem:$0x15E00] =	vst v63  }
0x6b: {  	_ =	swait.ge [sflag:s19], $0x3200  }
0x6c: {  	[sflag:s19] =	ssyncset.done $0x0  }
0x6d: {  	s31 =	simm.s32 $0x0;
	s1 =	simm.s32 $0x400;
	[sflag:s19] =	ssyncadd.s32 $0xFFFFCE00  }
.LBB2_5:
0x6e: {  	p0 =	sne.s32 s1, $0xC400;
	v0 =	vld [tilespmem:s31+$0xF0]  }
0x6f: {  	v1 =	vld [tilespmem:s31+$0x0]  }
0x70: {  	v2 =	vld [tilespmem:s31+$0x10]  }
0x71: {  	v3 =	vld [tilespmem:s31+$0x20]  }
0x72: {  	v4 =	vld [tilespmem:s31+$0x30]  }
0x73: {  	[tilespmem:s31+$0xC8F0] =	vst.add.f32.msk $0xffff, v0  }
0x74: {  	v0 =	vld [tilespmem:s31+$0x40]  }
0x75: {  	v5 =	vld [tilespmem:s31+$0x50]  }
0x76: {  	v6 =	vld [tilespmem:s31+$0x60]  }
0x77: {  	v7 =	vld [tilespmem:s31+$0x70]  }
0x78: {  	v8 =	vld [tilespmem:s31+$0x80]  }
0x79: {  	v9 =	vld [tilespmem:s31+$0x90]  }
0x7a: {  	v10 =	vld [tilespmem:s31+$0xA0]  }
0x7b: {  	v11 =	vld [tilespmem:s31+$0xB0]  }
0x7c: {  	v12 =	vld [tilespmem:s31+$0xC0]  }
0x7d: {  	v13 =	vld [tilespmem:s31+$0xD0]  }
0x7e: {  	v14 =	vld [tilespmem:s31+$0xE0]  }
0x7f: {  	[tilespmem:s31+$0xC800] =	vst.add.f32.msk $0xffff, v1  }
0x80: {  	[tilespmem:s31+$0xC810] =	vst.add.f32.msk $0xffff, v2  }
0x81: {  	[tilespmem:s31+$0xC820] =	vst.add.f32.msk $0xffff, v3  }
0x82: {  	[tilespmem:s31+$0xC830] =	vst.add.f32.msk $0xffff, v4  }
0x83: {  	[tilespmem:s31+$0xC840] =	vst.add.f32.msk $0xffff, v0  }
0x84: {  	[tilespmem:s31+$0xC850] =	vst.add.f32.msk $0xffff, v5  }
0x85: {  	[tilespmem:s31+$0xC860] =	vst.add.f32.msk $0xffff, v6  }
0x86: {  	[tilespmem:s31+$0xC870] =	vst.add.f32.msk $0xffff, v7  }
0x87: {  	[tilespmem:s31+$0xC880] =	vst.add.f32.msk $0xffff, v8  }
0x88: {  	[tilespmem:s31+$0xC890] =	vst.add.f32.msk $0xffff, v9  }
.Ltmp3:
0x89: {  	[tilespmem:s31+$0xC8A0] =	vst.add.f32.msk $0xffff, v10;
	(pc) =	sbr.rel @p0 .LBB2_5-.Ltmp3, $4  }
0x8a: {  	[tilespmem:s31+$0xC8B0] =	vst.add.f32.msk $0xffff, v11  }
0x8b: {  	[tilespmem:s31+$0xC8C0] =	vst.add.f32.msk $0xffff, v12  }
0x8c: {  	[tilespmem:s31+$0xC8D0] =	vst.add.f32.msk $0xffff, v13  }
0x8d: {  	[tilespmem:s31+$0xC8E0] =	vst.add.f32.msk $0xffff, v14;
	s31 =	sshra.s32 s1, $0x2;
	s1 =	sadd.s32 $0x400, s1  }
0x8e: {  	v0 =	vld [tilespmem:s31+$0xF0]  }
0x8f: {  	v1 =	vld [tilespmem:s31+$0x0]  }
0x90: {  	v2 =	vld [tilespmem:s31+$0x10]  }
0x91: {  	v3 =	vld [tilespmem:s31+$0x20]  }
0x92: {  	v4 =	vld [tilespmem:s31+$0x30]  }
0x93: {  	v63 =	vld [tilespmem:s31+$0x40]  }
0x94: {  	v5 =	vld [tilespmem:s31+$0x50]  }
0x95: {  	v6 =	vld [tilespmem:s31+$0x60]  }
0x96: {  	v7 =	vld [tilespmem:s31+$0x70]  }
0x97: {  	v8 =	vld [tilespmem:s31+$0x80]  }
0x98: {  	v9 =	vld [tilespmem:s31+$0x90]  }
0x99: {  	v10 =	vld [tilespmem:s31+$0xA0]  }
0x9a: {  	v11 =	vld [tilespmem:s31+$0xB0]  }
0x9b: {  	v12 =	vld [tilespmem:s31+$0xC0]  }
0x9c: {  	v13 =	vld [tilespmem:s31+$0xD0]  }
0x9d: {  	v14 =	vld [tilespmem:s31+$0xE0]  }
0x9e: {  	[tilespmem:s31+$0xC8F0] =	vst.add.f32.msk $0xffff, v0  }
0x9f: {  	[tilespmem:s31+$0xC800] =	vst.add.f32.msk $0xffff, v1  }
0xa0: {  	[tilespmem:s31+$0xC810] =	vst.add.f32.msk $0xffff, v2  }
0xa1: {  	[tilespmem:s31+$0xC820] =	vst.add.f32.msk $0xffff, v3  }
0xa2: {  	[tilespmem:s31+$0xC830] =	vst.add.f32.msk $0xffff, v4  }
0xa3: {  	[tilespmem:s31+$0xC840] =	vst.add.f32.msk $0xffff, v63  }
0xa4: {  	[tilespmem:s31+$0xC850] =	vst.add.f32.msk $0xffff, v5  }
0xa5: {  	[tilespmem:s31+$0xC860] =	vst.add.f32.msk $0xffff, v6  }
0xa6: {  	[tilespmem:s31+$0xC870] =	vst.add.f32.msk $0xffff, v7  }
0xa7: {  	[tilespmem:s31+$0xC880] =	vst.add.f32.msk $0xffff, v8  }
0xa8: {  	[tilespmem:s31+$0xC890] =	vst.add.f32.msk $0xffff, v9  }
0xa9: {  	s0 =	sadd.s32 s30, s7;
	[tilespmem:s31+$0xC8A0] =	vst.add.f32.msk $0xffff, v10  }
0xaa: {  	s0 =	smul.u32 $0x640, s0;
	[tilespmem:s31+$0xC8B0] =	vst.add.f32.msk $0xffff, v11  }
0xab: {  	[tilespmem:s31+$0xC8C0] =	vst.add.f32.msk $0xffff, v12  }
0xac: {  	s30 =	sadd.s32 s2, s0;
	[tilespmem:s31+$0xC8D0] =	vst.add.f32.msk $0xffff, v13  }
0xad: {  	p0 =	seq.s32 s28, $0x1F;
	s0 =	sadd.s32 $0x640, s30;
	[tilespmem:s31+$0xC8E0] =	vst.add.f32.msk $0xffff, v14  }
0xae: {  	[hbm4b:s0+s3] =	stream.linear.scatter [tilespmem:s14], [sflag:$0x6], $0x3200, $0x38;
	[tilespmem:$0x15E00] =	vst v63  }
0xaf: {  	s0 =	smul.u32 @!p0 $0xC80, s28  }
0xb0: {  	_ =	swait.ge [sflag:s20], $0x3200  }
0xb1: {  	s1 =	simm.s32 @!p0 $0xC8;
	[sflag:s20] =	ssyncset.done $0x0;
	s31 =	sshra.s32 @!p0 s0, $0x2  }
0xb2: {  	s13 =	simm.s32 @!p0 $0x9600;
	[sflag:s20] =	ssyncadd.s32 $0xFFFFCE00;
	s0 =	sadd.s32 @!p0 $0x3520, s31  }
0xb3: {  	[tilespmem:s13], [sflag:$0x1] =	stream.indirect.gather @!p0 [hbm4b:s4+s1], $0x40, s0, s1, $0xb8;
	[tilespmem:$0x15E00] =	vst v63  }
0xb4: {  	_ =	swait.ge [sflag:s21], $0x3200  }
0xb5: {  	[sflag:s21] =	ssyncset.done $0x0  }
0xb6: {  	s1 =	simm.s32 $0x0;
	s0 =	simm.s32 $0x400;
	[sflag:s21] =	ssyncadd.s32 $0xFFFFCE00  }
.LBB2_7:
0xb7: {  	p1 =	sne.s32 s0, $0xC400;
	v0 =	vld [tilespmem:s1+$0xF0]  }
0xb8: {  	v1 =	vld [tilespmem:s1+$0x0]  }
0xb9: {  	v2 =	vld [tilespmem:s1+$0x10]  }
0xba: {  	v3 =	vld [tilespmem:s1+$0x20]  }
0xbb: {  	v4 =	vld [tilespmem:s1+$0x30]  }
0xbc: {  	[tilespmem:s1+$0xFAF0] =	vst.add.f32.msk $0xffff, v0  }
0xbd: {  	v0 =	vld [tilespmem:s1+$0x40]  }
0xbe: {  	v5 =	vld [tilespmem:s1+$0x50]  }
0xbf: {  	v6 =	vld [tilespmem:s1+$0x60]  }
0xc0: {  	v7 =	vld [tilespmem:s1+$0x70]  }
0xc1: {  	v8 =	vld [tilespmem:s1+$0x80]  }
0xc2: {  	v9 =	vld [tilespmem:s1+$0x90]  }
0xc3: {  	v10 =	vld [tilespmem:s1+$0xA0]  }
0xc4: {  	v11 =	vld [tilespmem:s1+$0xB0]  }
0xc5: {  	v12 =	vld [tilespmem:s1+$0xC0]  }
0xc6: {  	v13 =	vld [tilespmem:s1+$0xD0]  }
0xc7: {  	v14 =	vld [tilespmem:s1+$0xE0]  }
0xc8: {  	[tilespmem:s1+$0xFA00] =	vst.add.f32.msk $0xffff, v1  }
0xc9: {  	[tilespmem:s1+$0xFA10] =	vst.add.f32.msk $0xffff, v2  }
0xca: {  	[tilespmem:s1+$0xFA20] =	vst.add.f32.msk $0xffff, v3  }
0xcb: {  	[tilespmem:s1+$0xFA30] =	vst.add.f32.msk $0xffff, v4  }
0xcc: {  	[tilespmem:s1+$0xFA40] =	vst.add.f32.msk $0xffff, v0  }
0xcd: {  	[tilespmem:s1+$0xFA50] =	vst.add.f32.msk $0xffff, v5  }
0xce: {  	[tilespmem:s1+$0xFA60] =	vst.add.f32.msk $0xffff, v6  }
0xcf: {  	[tilespmem:s1+$0xFA70] =	vst.add.f32.msk $0xffff, v7  }
0xd0: {  	[tilespmem:s1+$0xFA80] =	vst.add.f32.msk $0xffff, v8  }
0xd1: {  	[tilespmem:s1+$0xFA90] =	vst.add.f32.msk $0xffff, v9  }
.Ltmp4:
0xd2: {  	[tilespmem:s1+$0xFAA0] =	vst.add.f32.msk $0xffff, v10;
	(pc) =	sbr.rel @p1 .LBB2_7-.Ltmp4, $4  }
0xd3: {  	[tilespmem:s1+$0xFAB0] =	vst.add.f32.msk $0xffff, v11  }
0xd4: {  	[tilespmem:s1+$0xFAC0] =	vst.add.f32.msk $0xffff, v12  }
0xd5: {  	[tilespmem:s1+$0xFAD0] =	vst.add.f32.msk $0xffff, v13  }
0xd6: {  	[tilespmem:s1+$0xFAE0] =	vst.add.f32.msk $0xffff, v14;
	s1 =	sshra.s32 s0, $0x2;
	s0 =	sadd.s32 $0x400, s0  }
0xd7: {  	v0 =	vld [tilespmem:s1+$0xF0]  }
0xd8: {  	v1 =	vld [tilespmem:s1+$0x0]  }
0xd9: {  	v2 =	vld [tilespmem:s1+$0x10]  }
0xda: {  	v3 =	vld [tilespmem:s1+$0x20]  }
0xdb: {  	v4 =	vld [tilespmem:s1+$0x30]  }
0xdc: {  	v63 =	vld [tilespmem:s1+$0x40]  }
0xdd: {  	v5 =	vld [tilespmem:s1+$0x50]  }
0xde: {  	v6 =	vld [tilespmem:s1+$0x60]  }
0xdf: {  	v7 =	vld [tilespmem:s1+$0x70]  }
0xe0: {  	v8 =	vld [tilespmem:s1+$0x80]  }
0xe1: {  	v9 =	vld [tilespmem:s1+$0x90]  }
0xe2: {  	v10 =	vld [tilespmem:s1+$0xA0]  }
0xe3: {  	v11 =	vld [tilespmem:s1+$0xB0]  }
0xe4: {  	v12 =	vld [tilespmem:s1+$0xC0]  }
0xe5: {  	v13 =	vld [tilespmem:s1+$0xD0]  }
0xe6: {  	v14 =	vld [tilespmem:s1+$0xE0]  }
0xe7: {  	[tilespmem:s1+$0xFAF0] =	vst.add.f32.msk $0xffff, v0  }
0xe8: {  	[tilespmem:s1+$0xFA00] =	vst.add.f32.msk $0xffff, v1  }
0xe9: {  	[tilespmem:s1+$0xFA10] =	vst.add.f32.msk $0xffff, v2  }
0xea: {  	[tilespmem:s1+$0xFA20] =	vst.add.f32.msk $0xffff, v3  }
0xeb: {  	[tilespmem:s1+$0xFA30] =	vst.add.f32.msk $0xffff, v4  }
0xec: {  	[tilespmem:s1+$0xFA40] =	vst.add.f32.msk $0xffff, v63  }
0xed: {  	[tilespmem:s1+$0xFA50] =	vst.add.f32.msk $0xffff, v5  }
0xee: {  	[tilespmem:s1+$0xFA60] =	vst.add.f32.msk $0xffff, v6  }
0xef: {  	[tilespmem:s1+$0xFA70] =	vst.add.f32.msk $0xffff, v7  }
0xf0: {  	[tilespmem:s1+$0xFA80] =	vst.add.f32.msk $0xffff, v8  }
0xf1: {  	[tilespmem:s1+$0xFA90] =	vst.add.f32.msk $0xffff, v9  }
0xf2: {  	[tilespmem:s1+$0xFAA0] =	vst.add.f32.msk $0xffff, v10  }
0xf3: {  	[tilespmem:s1+$0xFAB0] =	vst.add.f32.msk $0xffff, v11  }
0xf4: {  	[tilespmem:s1+$0xFAC0] =	vst.add.f32.msk $0xffff, v12  }
0xf5: {  	[tilespmem:s1+$0xFAD0] =	vst.add.f32.msk $0xffff, v13  }
0xf6: {  	s0 =	sadd.s32 $0xC80, s30;
	[tilespmem:s1+$0xFAE0] =	vst.add.f32.msk $0xffff, v14  }
0xf7: {  	[hbm4b:s0+s3] =	stream.linear.scatter [tilespmem:s16], [sflag:$0x7], $0x3200, $0x38;
	[tilespmem:$0x15E00] =	vst v63  }
0xf8: {  	_ =	swait.ge [sflag:s22], $0x3200  }
0xf9: {  	s13 =	simm.s32 @!p0 $0xC800;
	[sflag:s22] =	ssyncset.done $0x0  }
0xfa: {  	s1 =	simm.s32 @!p0 $0xC8;
	s0 =	sadd.s32 @!p0 $0x35E8, s31;
	[sflag:s22] =	ssyncadd.s32 $0xFFFFCE00  }
0xfb: {  	[tilespmem:s13], [sflag:$0x2] =	stream.indirect.gather @!p0 [hbm4b:s4+s1], $0x40, s0, s1, $0xb8;
	[tilespmem:$0x15E00] =	vst v63  }
0xfc: {  	_ =	swait.ge [sflag:s23], $0x3200  }
0xfd: {  	[sflag:s23] =	ssyncset.done $0x0  }
0xfe: {  	s30 =	simm.s32 $0x0;
	s0 =	simm.s32 $0x400;
	[sflag:s23] =	ssyncadd.s32 $0xFFFFCE00  }
.LBB2_9:
0xff: {  	p1 =	sne.s32 s0, $0xC400;
	v0 =	vld [tilespmem:s30+$0xF0]  }
0x100: {  	v1 =	vld [tilespmem:s30+$0x0]  }
0x101: {  	v2 =	vld [tilespmem:s30+$0x10]  }
0x102: {  	v3 =	vld [tilespmem:s30+$0x20]  }
0x103: {  	v4 =	vld [tilespmem:s30+$0x30]  }
0x104: {  	[tilespmem:s30+$0x12CF0] =	vst.add.f32.msk $0xffff, v0  }
0x105: {  	v0 =	vld [tilespmem:s30+$0x40]  }
0x106: {  	v5 =	vld [tilespmem:s30+$0x50]  }
0x107: {  	v6 =	vld [tilespmem:s30+$0x60]  }
0x108: {  	v7 =	vld [tilespmem:s30+$0x70]  }
0x109: {  	v8 =	vld [tilespmem:s30+$0x80]  }
0x10a: {  	v9 =	vld [tilespmem:s30+$0x90]  }
0x10b: {  	v10 =	vld [tilespmem:s30+$0xA0]  }
0x10c: {  	v11 =	vld [tilespmem:s30+$0xB0]  }
0x10d: {  	v12 =	vld [tilespmem:s30+$0xC0]  }
0x10e: {  	v13 =	vld [tilespmem:s30+$0xD0]  }
0x10f: {  	v14 =	vld [tilespmem:s30+$0xE0]  }
0x110: {  	[tilespmem:s30+$0x12C00] =	vst.add.f32.msk $0xffff, v1  }
0x111: {  	[tilespmem:s30+$0x12C10] =	vst.add.f32.msk $0xffff, v2  }
0x112: {  	[tilespmem:s30+$0x12C20] =	vst.add.f32.msk $0xffff, v3  }
0x113: {  	[tilespmem:s30+$0x12C30] =	vst.add.f32.msk $0xffff, v4  }
0x114: {  	[tilespmem:s30+$0x12C40] =	vst.add.f32.msk $0xffff, v0  }
0x115: {  	[tilespmem:s30+$0x12C50] =	vst.add.f32.msk $0xffff, v5  }
0x116: {  	[tilespmem:s30+$0x12C60] =	vst.add.f32.msk $0xffff, v6  }
0x117: {  	[tilespmem:s30+$0x12C70] =	vst.add.f32.msk $0xffff, v7  }
0x118: {  	[tilespmem:s30+$0x12C80] =	vst.add.f32.msk $0xffff, v8  }
0x119: {  	[tilespmem:s30+$0x12C90] =	vst.add.f32.msk $0xffff, v9  }
.Ltmp5:
0x11a: {  	[tilespmem:s30+$0x12CA0] =	vst.add.f32.msk $0xffff, v10;
	(pc) =	sbr.rel @p1 .LBB2_9-.Ltmp5, $4  }
0x11b: {  	[tilespmem:s30+$0x12CB0] =	vst.add.f32.msk $0xffff, v11  }
0x11c: {  	[tilespmem:s30+$0x12CC0] =	vst.add.f32.msk $0xffff, v12  }
0x11d: {  	[tilespmem:s30+$0x12CD0] =	vst.add.f32.msk $0xffff, v13  }
0x11e: {  	[tilespmem:s30+$0x12CE0] =	vst.add.f32.msk $0xffff, v14;
	s30 =	sshra.s32 s0, $0x2;
	s0 =	sadd.s32 $0x400, s0  }
0x11f: {  	v0 =	vld [tilespmem:s30+$0xF0]  }
0x120: {  	v1 =	vld [tilespmem:s30+$0x0]  }
0x121: {  	v2 =	vld [tilespmem:s30+$0x10]  }
0x122: {  	v3 =	vld [tilespmem:s30+$0x20]  }
0x123: {  	v4 =	vld [tilespmem:s30+$0x30]  }
0x124: {  	v63 =	vld [tilespmem:s30+$0x40]  }
0x125: {  	v5 =	vld [tilespmem:s30+$0x50]  }
0x126: {  	v6 =	vld [tilespmem:s30+$0x60]  }
0x127: {  	v7 =	vld [tilespmem:s30+$0x70]  }
0x128: {  	v8 =	vld [tilespmem:s30+$0x80]  }
0x129: {  	v9 =	vld [tilespmem:s30+$0x90]  }
0x12a: {  	v10 =	vld [tilespmem:s30+$0xA0]  }
0x12b: {  	v11 =	vld [tilespmem:s30+$0xB0]  }
0x12c: {  	v12 =	vld [tilespmem:s30+$0xC0]  }
0x12d: {  	v13 =	vld [tilespmem:s30+$0xD0]  }
0x12e: {  	v14 =	vld [tilespmem:s30+$0xE0]  }
0x12f: {  	[tilespmem:s30+$0x12CF0] =	vst.add.f32.msk $0xffff, v0  }
0x130: {  	[tilespmem:s30+$0x12C00] =	vst.add.f32.msk $0xffff, v1  }
0x131: {  	[tilespmem:s30+$0x12C10] =	vst.add.f32.msk $0xffff, v2  }
0x132: {  	[tilespmem:s30+$0x12C20] =	vst.add.f32.msk $0xffff, v3  }
0x133: {  	[tilespmem:s30+$0x12C30] =	vst.add.f32.msk $0xffff, v4  }
0x134: {  	[tilespmem:s30+$0x12C40] =	vst.add.f32.msk $0xffff, v63  }
0x135: {  	[tilespmem:s30+$0x12C50] =	vst.add.f32.msk $0xffff, v5  }
0x136: {  	[tilespmem:s30+$0x12C60] =	vst.add.f32.msk $0xffff, v6  }
0x137: {  	[tilespmem:s30+$0x12C70] =	vst.add.f32.msk $0xffff, v7  }
0x138: {  	[tilespmem:s30+$0x12C80] =	vst.add.f32.msk $0xffff, v8  }
0x139: {  	[tilespmem:s30+$0x12C90] =	vst.add.f32.msk $0xffff, v9  }
0x13a: {  	[tilespmem:s30+$0x12CA0] =	vst.add.f32.msk $0xffff, v10  }
0x13b: {  	s0 =	sadd.s32 s7, s29;
	[tilespmem:s30+$0x12CB0] =	vst.add.f32.msk $0xffff, v11  }
0x13c: {  	s0 =	smul.u32 $0x640, s0;
	[tilespmem:s30+$0x12CC0] =	vst.add.f32.msk $0xffff, v12  }
0x13d: {  	[tilespmem:s30+$0x12CD0] =	vst.add.f32.msk $0xffff, v13  }
.Ltmp6:
0x13e: {  	s0 =	sadd.s32 s2, s0;
	[tilespmem:s30+$0x12CE0] =	vst.add.f32.msk $0xffff, v14;
	(pc) =	sbr.rel @p0 .LBB2_12-.Ltmp6, $4  }
0x13f: {  	[hbm4b:s0+s3] =	stream.linear.scatter [tilespmem:s18], [sflag:$0x8], $0x3200, $0x38;
	[tilespmem:$0x15E00] =	vst v63  }
0x140: {  	_ =	swait.ge [sflag:s24], $0x3200  }
0x141: {  	[sflag:s24] =	ssyncset.done $0x0  }
0x142: {  	[sflag:s24] =	ssyncadd.s32 $0xFFFFCE00  }
0x143: {  	s0 =	smul.u32 $0xC80, s28  }
.Ltmp7:
0x144: {  	_ = 	snop;
	(pc) =	sbr.rel .LBB2_2-.Ltmp7, $4  }
0x145: {  	_ = 	snop  }
0x146: {  	s0 =	sshra.s32 s0, $0x2  }
0x147: {  	s28 =	sadd.s32 $0x1, s28;
	s0 =	sadd.s32 $0x36B0, s0  }
0x148: {  	[tilespmem:s16], [sflag:$0x3] =	stream.indirect.gather [hbm4b:s4+s11], $0x40, s0, s11, $0xb8;
	[tilespmem:$0x15E00] =	vst v63  }
.LBB2_13:
0x149: {  	_ =	sfence.sel $0x180000  }
0x14a: {  	[bflag:$0x0] =	sbarrier.arrive $0xFFFF  }
0x14b: {  	_ =	strace $0x90000047  }
0x14c: {  	s0 =	stileid.u32;
	[bflag:$0x2] =	sbarrier.arrive $0xFFFF  }
0x14d: {  	p0 =	sne.s32 s0, $0x0;
	s0 =	rddreg [dreg:$0x2]  }
0x14e: {  	s0 =	sadd.s32 @!p0 $0x100000, s0  }
0x14f: {  	[sflag:s0] =	ssyncadd.tile.s32 @!p0 $0x1;
	_ =	shalt  }
.Lfunc_end2:
_tile_overlayer_lowered:
.L_overlay_start_2:
0x150: {  	(tag) =	ssettag $0x2  }
0x151: {  	s0 =	rddreg [dreg:$0x0];
	s2 =	stileid.u32  }
0x152: {  	s1 =	rddreg [dreg:$0x1];
	p0 =	sne.s32 s2, $0x0  }
0x153: {  	s3 =	rddreg [dreg:$0x2];
	[bflag:$0x3] =	sbarrier.arrive $0xFFFF;
	s2 =	simm.s32 @!p0 $0x1C09  }
0x154: {  	[timem:s3], [sflag:s2] =	dma.local @!p0 [hbm:s0], s1  }
0x155: {  	s0 =	simm.s32 @!p0 $0x9  }
0x156: {  	_ =	swait.ge @!p0 [sflag:s0], s1  }
0x157: {  	s1 =	ssub.s32 @!p0 $0x0, s1;
	[sflag:s0] =	ssyncset.done @!p0 $0x0  }
0x158: {  	[sflag:s0] =	ssyncadd.s32 @!p0 s1  }
0x159: {  	[bflag:$0x3] =	sbarrier.arrive $0xFFFF  }
0x15a: {  	_ =	shalt  }

// kernel: sparse-core-data-format-call.cloned.1.call-start
scs
called_computation_lowered:
.L_overlay_start_0:
0x0: {  	s2 =	sld [smem:$0x3FD9]  }
0x1: {  	s3 =	sld [smem:$0x3FFE];
	_ =	sdelay $0x1  }
0x2: {  	s1 =	srdreg.scid  }
0x3: {  	s0 =	sand.u32 $0x1, s1  }
0x4: {  	s18 =	sshll.u32 s0, $0xA;
	s2 =	sadd.s32 s3, s2  }
0x5: {  	s2 =	sadd.s32 s2, s18  }
0x6: {  	[smem:$0x3FC5] =	sst s2  }
0x7: {  	_ = 	snop  }
0x8: {  	s2 =	sld [smem:$0x3FD0];
	(tm) =	ssettm $0x1  }
0x9: {  	s19 =	sld [smem:$0x3FFB];
	_ =	sdelay $0x3  }
0xa: {  	_ =	strace s19  }
0xb: {  	s3 =	sld [smem:$0x3FFC];
	_ =	sdelay $0x3  }
0xc: {  	_ =	strace s3  }
0xd: {  	s3 =	sld [smem:$0x3FFD];
	_ =	sdelay $0x3  }
0xe: {  	_ =	strace s3  }
0xf: {  	_ =	strace $0x8FFFFFFF  }
0x10: {  	s20 =	sld [smem:$0x3FDB];
	_ =	sdelay $0x1  }
0x11: {  	s4 =	simm.s32 $_scs_section_size  }
0x12: {  	s5 =	simm.s32 $_size__tile_overlayer_lowered;
	s6 =	simm.s32 $_tile_overlayer_lowered  }
0x13: {  	s23 =	simm.s32 $0x1BFF;
	s22 =	sshll.u32 s6, $0x1;
	s3 =	sadd.s32 s4, s20  }
0x14: {  	s7 =	simm.s32 $0x0;
	s21 =	sshll.u32 s5, $0x1;
	s5 =	sadd.s32 s22, s3  }
0x15: {  	[timem:s7], [sflag:s23] =	dma.local [hbm:s5], s21  }
0x16: {  	_ =	swait.ge [sflag:s23], s21  }
0x17: {  	s4 =	ssub.s32 $0x0, s21;
	[sflag:s23] =	ssyncset.done $0x0  }
0x18: {  	[sflag:s23] =	ssyncadd.s32 s4;
	_ =	sdelay $0x1  }
0x19: {  	s24 =	simm.s32 $0x1B8B  }
0x1a: {  	_ =	swait.ge [sflag:s24], $0x1  }
0x1b: {  	[sflag:s24] =	ssyncset.done $0x0  }
0x1c: {  	s26 =	simm.s32 $0x1B8E;
	s25 =	sld [smem:$0x3FFE];
	[sflag:s24] =	ssyncadd.s32 $0xFFFFFFFF  }
0x1d: {  	s27 =	simm.s32 $execute0_lowered;
	[smem:$0x3FD2] =	sst s26  }
0x1e: {  	s5 =	sshll.u32 s27, $0x1;
	_ =	strace $0x80000049;
	[dreg:$0x1] =	wrdreg $0xFFFFFFFF  }
0x1f: {  	s28 =	simm.s32 $_size_execute0_lowered;
	s3 =	sadd.s32 s3, s5;
	[dreg:$0x0] =	wrdreg $0x0  }
0x20: {  	s5 =	sshll.u32 s28, $0x1;
	[dreg:$0x2] =	wrdreg s3  }
0x21: {  	[dreg:$0x3] =	wrdreg s5  }
0x22: {  	[dreg:$0x4] =	wrdreg $0xC0  }
0x23: {  	_ =	task [dreg:s7], $0x5FFFF  }
0x24: {  	[dreg:$0x1] =	wrdreg $0xFFFFFFFF  }
0x25: {  	[dreg:$0x0] =	wrdreg $0x60  }
0x26: {  	[dreg:$0x2] =	wrdreg s25  }
0x27: {  	[dreg:$0x3] =	wrdreg s2  }
0x28: {  	[dreg:$0x4] =	wrdreg $0x9  }
0x29: {  	_ =	task.clear_ibuf [dreg:s7], $0x5FFFF;
	_ =	strace $0x90000049  }
0x2a: {  	s29 =	simm.s32 $0x9;
	_ =	strace $0x8000004B  }
0x2b: {  	_ =	swait.ge [sflag:s29], $0x1  }
0x2c: {  	[sflag:s29] =	ssyncadd.s32 $0xFFFFFFFF  }
0x2d: {  	_ =	strace $0x9000004B  }
0x2e: {  	_ =	sfence  }
0x2f: {  	s30 =	sld [smem:$0x0];
	_ =	sdelay $0x2  }
0x30: {  	s31 =	sshll.u32 s1, $0xD;
	s1 =	sshrl.u32 s1, $0x2  }
0x31: {  	s3 =	sand.u32 $0x4000, s31;
	s1 =	sadd.s32 s1, s30  }
0x32: {  	s0 =	sor.u32 s3, s0;
	s1 =	sshll.u32 s1, $0x11  }
0x33: {  	s0 =	sor.u32 s1, s0  }
0x34: {  	s0 =	sadd.s32 $0x8F2B, s0  }
0x35: {  	[sflag:s0] =	ssyncadd.remote.s32 $0x1  }
0x36: {  	_ =	sfence.sel $0xFFFF  }
0x37: {  	[dreg:$0x0] =	wrdreg $0xFFFFFFFF;
	(pc) =	sbr.abs _section_cstart, $3  }
0x38: {  	[dreg:$0x1] =	wrdreg $0xFFFFFFFF  }
0x39: {  	_ =	task.clear_ibuf [dreg:s7], $0x2FFFF;
	_ =	strace $0x9FFFFFFF  }
0x3a: {  	(tm) =	ssettm $0x7FFFFFFF  }
0x3b: {  	_ =	shalt  }
tec
execute0_lowered:
.L_overlay_start_1:
0x0: {  	(tag) =	ssettag $0x1  }
0x1: {  	s0 =	srdreg.scid  }
0x2: {  	s1 =	sshll.u32 s0, $0x4  }
0x3: {  	s0 =	stileid.u32;
	s1 =	sand.u32 $0x10, s1  }
0x4: {  	s1 =	sor.u32 s0, s1  }
0x5: {  	s6 =	rddreg [dreg:$0x0];
	s4 =	simm.s32 $0x1;
	s2 =	sshll.u32 s1, $0x7  }
0x6: {  	s7 =	simm.s32 $0x2;
	s12 =	simm.s32 $0x0;
	s1 =	ssub.s32 $0x1000, s2  }
0x7: {  	s8 =	simm.s32 $0x8000;
	s13 =	simm.s32 $0x0;
	s3 =	sand.u32 $0xF80, s1  }
0x8: {  	s9 =	simm.s32 $0x0;
	s5 =	sshrl.u32 s1, $0xC;
	p0 =	sne.s32 s3, $0x0  }
.Ltmp0:
0x9: {  	s1 =	rddreg [dreg:$0x2];
	s4 =	simm.s32 @!p0 $0x0;
	(pc) =	sbr.rel .LBB1_1-.Ltmp0, $4  }
0xa: {  	s11 =	simm.s32 $0x0;
	s3 =	rddreg [dreg:$0x1];
	s5 =	sadd.s32 s4, s5  }
0xb: {  	_ =	strace $0x8000004A;
	s4 =	simm.s32 $0x1;
	s5 =	smul.u32 $0xC8, s5  }
0xc: {  	s6 =	sadd.s32 $0xC00, s6;
	s10 =	smov.u32 s2;
	[sflag:s4] =	ssyncpa.u1 $0x0  }
0xd: {  	p0 =	por $0x0, $0x0;
	[sflag:s7] =	ssyncpa.u1 $0x0;
	s7 =	sor.u32 $0x1, s5  }
.LBB1_4:
0xe: {  	s16 =	sshll.u32 s13, $0x3;
	s17 =	sand.u32 $0x78, s13  }
0xf: {  	s30 =	sand.u32 $0x7E00, s13;
	s12 =	sshll.u32 s12, $0xF;
	s16 =	sand.u32 $0xC00, s16  }
0x10: {  	[tilespmem:s15+$0x810 ss:$0x81] =	vst.msk $0xffff, v2;
	s31 =	sand.u32 $0x7, s13;
	s16 =	sor.u32 s17, s16;
	s17 =	sadd.s32 s3, s30  }
0x11: {  	[tilespmem:s15+$0x1020 ss:$0x81] =	vst.msk $0xffff, v0;
	s13 =	sshll.u32 s31, $0x12;
	s12 =	sadd.s32 s12, s17;
	s16 =	sshrl.u32 s16, $0x3  }
0x12: {  	[tilespmem:s15+$0x0 ss:$0x81] =	vst.msk $0xffff, v1;
	s13 =	sor.u32 $0x400, s13;
	s12 =	sadd.s32 s16, s12  }
0x13: {  	[hbm4b:s12+s13] =	stream.strided.scatter [tilespmem:s14], [sflag:$0x2], $0x2000, s8, s13, $0x20;
	[tilespmem:$0x8080] =	vst v63  }
.LBB1_5:
0x14: {  	s14 =	sadd.s32 $0x1, s9  }
0x15: {  	s12 =	sadd.s32 $0x1000, s10;
	s16 =	smov.u32 s10;
	p2 =	sgt.s32 s14, $0xC7  }
0x16: {  	s16 =	smov.u32 @p2 s12  }
0x17: {  	s14 =	simm.s32 @p2 $0x0;
	p2 =	sgt.s32 s16, $0xFFF  }
0x18: {  	s16 =	smov.u32 @p2 s2;
	p2 =	sne.s32 s11, s7  }
.Ltmp1:
0x19: {  	p1 =	slt.u32 s11, $0x2;
	(pc) =	sbr.rel @!p2 .LBB1_6-.Ltmp1, $4  }
0x1a: {  	s15 =	simm.s32 @!p1 $0x2  }
0x1b: {  	s13 =	smov.u32 s10;
	p0 =	por !p0, !p0;
	_ =	swait.ge @!p1 [sflag:s15], $0x2000  }
0x1c: {  	s12 =	smov.u32 s9;
	[sflag:s15] =	ssyncset.done @!p1 $0x0;
	s9 =	smov.u32 s14  }
0x1d: {  	s11 =	sadd.s32 $0x1, s11;
	[sflag:s15] =	ssyncadd.s32 @!p1 $0xFFFFE000;
	s10 =	smov.u32 s16  }
.LBB1_1:
0x1e: {  	p1 =	sge.u32 s11, s5  }
0x1f: {  	s14 =	sand.u32 @!p1 $0x1FFFFFF, s9  }
0x20: {  	s15 =	smulhi.u32 @!p1 $0x147AE15, s14;
	_ =	sdelay $0x1  }
0x21: {  	s15 =	smul.u32 @!p1 $0xC8, s15  }
0x22: {  	s16 =	sxor.u32 @!p1 $0xFFFFFFFF, s11;
	s17 =	smul.u32 @!p1 $0xC80, s10  }
0x23: {  	s31 =	sadd.s32 $0xFFFFFFFF, s11;
	s16 =	sshll.u32 @!p1 s16, $0xD;
	s14 =	ssub.s32 @!p1 s14, s15  }
0x24: {  	s15 =	sand.u32 @!p1 $0x2000, s16;
	s16 =	sadd.s32 @!p1 s6, s17;
	s14 =	sshll.u32 @!p1 s14, $0x4  }
0x25: {  	s17 =	simm.s32 @!p1 $0x6400;
	s14 =	sadd.s32 @!p1 s14, s16;
	s16 =	simm.s32 @!p1 $0x40  }
0x26: {  	[tilespmem:s15], [sflag:$0x1] =	stream.strided.gather @!p1 [hbm4b:s14+s16], $0x2000, s17, s16, $0x38;
	[tilespmem:$0x8080] =	vst v63  }
0x27: {  	p1 =	sge.u32 s31, s5  }
.Ltmp2:
0x28: {  	_ = 	snop;
	(pc) =	sbr.rel @p1 .LBB1_5-.Ltmp2, $1  }
0x29: {  	_ =	sdelay $0x3  }
0x2a: {  	s14 =	simm.s32 $0x1  }
0x2b: {  	_ =	swait.ge [sflag:s4], $0x2000;
	s14 =	simm.s32 @!p0 $0x0  }
0x2c: {  	[sflag:s4] =	ssyncset.done $0x0;
	s15 =	sshll.u32 s14, $0xD  }
0x2d: {  	[sflag:s4] =	ssyncadd.s32 $0xFFFFE000;
	s18 =	sor.u32 $0x20, s15  }
0x2e: {  	s14 =	smul.u32 $0x8100, s14;
	v3 =	vld [tilespmem:s18+$0x10]  }
0x2f: {  	s30 =	sand.u32 $0x1, s11;
	v2 =	vld [tilespmem:s18+$0xFFFFFFF0]  }
0x30: {  	s15 =	smul.u32 $0x8100, s30;
	s14 =	sshrl.u32 s14, $0x2;
	v0 =	vld [tilespmem:s18+$0x0]  }
0x31: {  	v1 =	vld [tilespmem:s18+$0xFFFFFFE0];
	s16 =	sor.u32 $0x4000, s14  }
0x32: {  	s31 =	sshrl.u32 s15, $0x2;
	s15 =	sadd.s32 $0x0, s16  }
0x33: {  	s17 =	simm.s32 $0x4;
	s18 =	sadd.s32 $0x40, s18;
	s14 =	sor.u32 $0x4000, s31;
	[tilespmem:s15+$0x1830 ss:$0x81] =	vst.msk $0xffff, v3  }
.LBB1_3:
0x34: {  	v3 =	vld [tilespmem:s18+$0x10];
	p1 =	sne.s32 s17, $0x1FC;
	[tilespmem:s15+$0x810 ss:$0x81] =	vst.msk $0xffff, v2;
	s19 =	smov.u32 s17;
	s17 =	sadd.s32 $0x4, s17  }
.Ltmp3:
0x35: {  	v2 =	vld [tilespmem:s18+$0xFFFFFFF0];
	[tilespmem:s15+$0x1020 ss:$0x81] =	vst.msk $0xffff, v0;
	(pc) =	sbr.rel @p1 .LBB1_3-.Ltmp3, $4  }
0x36: {  	v0 =	vld [tilespmem:s18+$0x0];
	[tilespmem:s15+$0x0 ss:$0x81] =	vst.msk $0xffff, v1  }
0x37: {  	s15 =	sshra.s32 s19, $0x2;
	v1 =	vld [tilespmem:s18+$0xFFFFFFE0]  }
0x38: {  	s15 =	sadd.s32 s15, s16  }
0x39: {  	s18 =	sadd.s32 $0x40, s18;
	[tilespmem:s15+$0x1830 ss:$0x81] =	vst.msk $0xffff, v3  }
.Ltmp4:
0x3a: {  	_ = 	snop;
	(pc) =	sbr.rel .LBB1_4-.Ltmp4, $1  }
0x3b: {  	_ =	sdelay $0x3  }
.LBB1_6:
0x3c: {  	_ =	sfence.sel $0x180000  }
0x3d: {  	s2 =	simm.s32 $0x1;
	[bflag:$0x0] =	sbarrier.arrive $0xFFFF  }
0x3e: {  	s31 =	simm.s32 $0x2;
	[sflag:s2] =	ssyncpa.u1 $0x1  }
0x3f: {  	[sflag:s31] =	ssyncpa.u1 $0x1  }
0x40: {  	p0 =	sne.s32 s0, $0x0;
	_ =	strace $0x9000004A  }
0x41: {  	s0 =	sadd.s32 @!p0 $0x100000, s1;
	[bflag:$0x2] =	sbarrier.arrive $0xFFFF  }
0x42: {  	[sflag:s0] =	ssyncadd.tile.s32 @!p0 $0x1;
	_ =	shalt  }
.Lfunc_end1:
_tile_overlayer_lowered:
.L_overlay_start_2:
0x43: {  	(tag) =	ssettag $0x2  }
0x44: {  	s0 =	rddreg [dreg:$0x0];
	s2 =	stileid.u32  }
0x45: {  	s1 =	rddreg [dreg:$0x1];
	p0 =	sne.s32 s2, $0x0  }
0x46: {  	s3 =	rddreg [dreg:$0x2];
	[bflag:$0x3] =	sbarrier.arrive $0xFFFF;
	s2 =	simm.s32 @!p0 $0x1C01  }
0x47: {  	[timem:s3], [sflag:s2] =	dma.local @!p0 [hbm:s0], s1  }
0x48: {  	s0 =	simm.s32 @!p0 $0x1  }
0x49: {  	_ =	swait.ge @!p0 [sflag:s0], s1  }
0x4a: {  	s1 =	ssub.s32 @!p0 $0x0, s1;
	[sflag:s0] =	ssyncset.done @!p0 $0x0  }
0x4b: {  	[sflag:s0] =	ssyncadd.s32 @!p0 s1  }
0x4c: {  	[bflag:$0x3] =	sbarrier.arrive $0xFFFF  }
0x4d: {  	_ =	shalt  }

</sc_bundles>
